<compile_context>
chip_gen: v7x
topology: tpu7x:2x2x1
jax: 0.10.2.dev20260603
libtpu: 0.0.44.dev20260713+nightly
codegen_flags: <defaults>
</compile_context>

<pallas_src>
import math

import jax
import jax.numpy as jnp
from jax import lax
from jax.experimental import pallas as pl
from jax.experimental.pallas import tpu as pltpu
from jax.experimental.pallas import tpu_sc as plsc

_B, _H, _W = 64, 512, 512
_N = _B * _H * _W
_ROWS = _B * _H
_EPS = 1e-7
_WCONST = 1.0 / math.sqrt(2.0 * math.pi) + 1.0
_LN2 = 0.6931471805599453

_B_SC = 8
_B_TC = _B - _B_SC
_BLK = 4

_NC, _NS, _L = 2, 16, 16
_NW = _NC * _NS
_SC_ROW0 = _B_TC * _H
_ROWS_W = _B_SC * _H // _NW
_CROWS = 32
_NCHUNK = _ROWS_W // _CROWS
_VPC = _CROWS * _W // _L
assert _ROWS_W % _CROWS == 0 and _NCHUNK % 2 == 0 and _B_TC % _BLK == 0

_P4 = (0.12485707239380021, -0.1803062212588628, 0.20199732138371299,
       -0.24970131260977038, 0.3333148351700814)
_SQRTHF_BITS = 0x3F3504F3
_BOFF = 0x3F800000 - _SQRTHF_BITS


def _tc_body(p_ref, t_ref, ssum_ref, stsum_ref, tsum_ref):
    i = pl.program_id(0)
    p = p_ref[...]
    t = t_ref[...]
    q = jnp.maximum(jnp.where(t > 0.0, p, 1.0 - p), _EPS)
    v = jnp.log2(q)

    @pl.when(i == 0)
    def _init():
        ssum_ref[0, 0] = 0.0
        stsum_ref[0, 0] = 0.0
        tsum_ref[0, 0] = 0.0

    ssum_ref[0, 0] += jnp.sum(v)
    stsum_ref[0, 0] += jnp.sum(t * v)
    tsum_ref[0, 0] += jnp.sum(t)


_scalar_spec = pl.BlockSpec((1, 1), lambda i: (0, 0), memory_space=pltpu.SMEM)
_tc_call = pl.pallas_call(
    _tc_body,
    grid=(_B_TC // _BLK,),
    in_specs=[
        pl.BlockSpec((_BLK, _H, _W), lambda i: (i, 0, 0)),
        pl.BlockSpec((_BLK, _H, _W), lambda i: (i, 0, 0)),
    ],
    out_specs=[_scalar_spec, _scalar_spec, _scalar_spec],
    out_shape=[
        jax.ShapeDtypeStruct((1, 1), jnp.float32),
        jax.ShapeDtypeStruct((1, 1), jnp.float32),
        jax.ShapeDtypeStruct((1, 1), jnp.float32),
    ],
)


def _log_q(q):
    bits = lax.bitcast_convert_type(q, jnp.int32) + _BOFF
    k = lax.shift_right_logical(bits, 23) - 127
    m = lax.bitcast_convert_type((bits & 0x007FFFFF) + _SQRTHF_BITS,
                                 jnp.float32)
    f = m - 1.0
    z = f * f
    p = jnp.float32(_P4[0])
    for c in _P4[1:]:
        p = p * f + jnp.float32(c)
    return f - 0.5 * z + z * f * p + k.astype(jnp.float32) * jnp.float32(_LN2)


def _sc_body(p_hbm, t_hbm, out_hbm,
             pb0, pb1, tb0, tb1, accbuf, ps0, ps1, ts0, ts1):
    wid = lax.axis_index("s") * _NC + lax.axis_index("c")
    base = _SC_ROW0 + wid * _ROWS_W
    pbufs, tbufs = (pb0, pb1), (tb0, tb1)
    psems, tsems = (ps0, ps1), (ts0, ts1)

    for b in range(2):
        pltpu.async_copy(p_hbm.at[pl.ds(base + b * _CROWS, _CROWS), :],
                         pbufs[b], psems[b])
        pltpu.async_copy(t_hbm.at[pl.ds(base + b * _CROWS, _CROWS), :],
                         tbufs[b], tsems[b])

    def outer(g, carry):
        for b in range(2):
            c = 2 * g + b
            pltpu.make_async_copy(p_hbm.at[pl.ds(0, _CROWS), :],
                                  pbufs[b], psems[b]).wait()
            pltpu.make_async_copy(t_hbm.at[pl.ds(0, _CROWS), :],
                                  tbufs[b], tsems[b]).wait()
            pbuf, tbuf = pbufs[b], tbufs[b]

            @plsc.parallel_loop(0, _VPC, carry=carry, unroll=8)
            def inner(i, acc):
                s_acc, st_acc, t_acc = acc
                r = lax.shift_right_logical(i, 5)
                col = (i & 31) * _L
                p = pbuf[r, pl.ds(col, _L)]
                t = tbuf[r, pl.ds(col, _L)]
                q = jnp.maximum(jnp.where(t > 0.0, p, 1.0 - p), _EPS)
                v = _log_q(q)
                return (s_acc + v, st_acc + t * v, t_acc + t)

            carry = inner

            @pl.when(c + 2 < _NCHUNK)
            def _():
                roff = base + (c + 2) * _CROWS
                pltpu.async_copy(p_hbm.at[pl.ds(roff, _CROWS), :],
                                 pbufs[b], psems[b])
                pltpu.async_copy(t_hbm.at[pl.ds(roff, _CROWS), :],
                                 tbufs[b], tsems[b])
        return carry

    zeros = jnp.zeros((_L,), jnp.float32)
    s_acc, st_acc, t_acc = lax.fori_loop(
        0, _NCHUNK // 2, outer, (zeros, zeros, zeros))
    accbuf[pl.ds(0, _L)] = s_acc
    accbuf[pl.ds(_L, _L)] = st_acc
    accbuf[pl.ds(2 * _L, _L)] = t_acc
    pltpu.sync_copy(accbuf, out_hbm.at[wid])


_sc_call = pl.kernel(
    _sc_body,
    out_type=jax.ShapeDtypeStruct((_NW, 3 * _L), jnp.float32),
    mesh=plsc.VectorSubcoreMesh(
        core_axis_name="c", subcore_axis_name="s",
        num_cores=_NC, num_subcores=_NS),
    compiler_params=pltpu.CompilerParams(use_tc_tiling_on_sc=True),
    scratch_types=[
        pltpu.VMEM((_CROWS, _W), jnp.float32),
        pltpu.VMEM((_CROWS, _W), jnp.float32),
        pltpu.VMEM((_CROWS, _W), jnp.float32),
        pltpu.VMEM((_CROWS, _W), jnp.float32),
        pltpu.VMEM((3 * _L,), jnp.float32),
        pltpu.SemaphoreType.DMA,
        pltpu.SemaphoreType.DMA,
        pltpu.SemaphoreType.DMA,
        pltpu.SemaphoreType.DMA,
    ],
)


def kernel(pred_PM, pred_Ms):
    sc_parts = _sc_call(pred_PM.reshape(_ROWS, _W), pred_Ms.reshape(_ROWS, _W))
    tc_s, tc_st, tc_t = _tc_call(pred_PM, pred_Ms)
    sc_parts = sc_parts.reshape(_NW, 3, _L)
    l_sum = -jnp.sum(sc_parts[:, 0, :]) - _LN2 * tc_s[0, 0]
    tl_sum = -jnp.sum(sc_parts[:, 1, :]) - _LN2 * tc_st[0, 0]
    num_pos = jnp.sum(sc_parts[:, 2, :]) + tc_t[0, 0]
    num_neg = _N - num_pos
    pos_term = jnp.where(num_pos > 0, _WCONST * tl_sum / num_pos, 0.0)
    neg_term = jnp.where(num_neg > 0, _WCONST * (l_sum - tl_sum) / num_neg, 0.0)
    loss = (pos_term + neg_term).astype(jnp.float32)
    return (jnp.zeros((), jnp.float32), loss)

# --- scband reference (transcript-rebuilt; emitter-appended) ---
"""Pipeline reference for scband-self-loss-24953759989822 (READ-ONLY COPY).

The authoritative reference and input builder live on the scoring server;
editing this copy changes nothing except your own understanding.
"""

import jax, jax.numpy as jnp
import numpy as np
from jax import lax

B, H, W = 64, 512, 512


def mask_dilate(mask, kernel_size=9):
    pad = kernel_size // 2
    kernel = jnp.ones((1, 1, kernel_size, kernel_size), dtype=mask.dtype)
    out = lax.conv_general_dilated(mask, kernel, window_strides=(1, 1),
                                   padding=((pad, pad), (pad, pad)),
                                   dimension_numbers=('NCHW', 'OIHW', 'NCHW'))
    return jnp.clip(out, 0.0, 1.0)


def compute_mask_edge_weights(mask, dilate_kernel_size=9, erode_kernel_size=9, w_edge=5.0):
    # NOTE: original torch code calls mask_dilate for both dilate and erode (faithful)
    dilated_mask = mask_dilate(mask, dilate_kernel_size)
    eroded_mask = mask_dilate(mask, erode_kernel_size)
    mask_edge = dilated_mask - eroded_mask
    return jnp.exp(-0.5 * (mask_edge * w_edge) ** 2) / np.sqrt(2 * np.pi) + 1.0


def weighted_ex_loss_probs(probs, target, weight):
    pos = target > 0
    neg = target == 0
    probs = jnp.clip(probs, 1e-07, 1.0 - 1e-07)
    pos_loss = jnp.where(pos, -target * jnp.log(probs) * weight, 0.0)
    neg_loss = jnp.where(neg, -jnp.log(1.0 - probs) * weight, 0.0)
    num_pos = jnp.sum(pos)
    num_neg = jnp.sum(neg)
    loss = jnp.where(num_pos > 0, jnp.sum(pos_loss) / num_pos.astype(probs.dtype), 0.0)
    loss = loss + jnp.where(num_neg > 0, jnp.sum(neg_loss) / num_neg.astype(probs.dtype), 0.0)
    return loss


def setup_inputs(seed: int = 0) -> dict:
    key = jax.random.key(seed)
    k1, k2 = jax.random.split(key)
    pred_PM = jax.random.uniform(k1, (B, H, W), dtype=jnp.float32)
    pred_Ms = jax.random.randint(k2, (B, H, W), 0, 2).astype(jnp.float32)
    return {"pred_PM": pred_PM, "pred_Ms": pred_Ms}


def reference(pred_PM, pred_Ms):
    WEIGHT_MASK = 1.0
    cham_loss_sum = jnp.array(0.0, dtype=jnp.float32)
    mask_loss_sum = jnp.array(0.0, dtype=jnp.float32)
    ms = pred_Ms.reshape(-1, 1, H, W)
    pm = pred_PM.reshape(-1, 1, H, W)
    mask_edge_weights = compute_mask_edge_weights(ms, dilate_kernel_size=9, erode_kernel_size=9)
    loss_mask = weighted_ex_loss_probs(pm, ms, mask_edge_weights)
    mask_loss_sum = mask_loss_sum + WEIGHT_MASK * loss_mask
    return (cham_loss_sum, mask_loss_sum)

if __name__ == "__main__":
    import jax
    _d = setup_inputs()
    print(jax.jit(kernel)(*tuple(_d.values())))

</pallas_src>

<mosaic_0001>
#map = affine_map<(d0, d1) -> (0, 0)>
module attributes {stable_mosaic.version = 14 : i64} {
  func.func @_sc_body(%arg0: i32, %arg1: i32, %arg2: memref<32768x512xf32, #tpu.memory_space<hbm>>, %arg3: memref<32768x512xf32, #tpu.memory_space<hbm>>, %arg4: memref<32x48xf32, #tpu.memory_space<hbm>>, %arg5: memref<32x512xf32, #tpu.memory_space<vmem>>, %arg6: memref<32x512xf32, #tpu.memory_space<vmem>>, %arg7: memref<32x512xf32, #tpu.memory_space<vmem>>, %arg8: memref<32x512xf32, #tpu.memory_space<vmem>>, %arg9: memref<48xf32, #tpu.memory_space<vmem>>, %arg10: memref<!tpu.dma_semaphore, #tpu.memory_space<semaphore_mem>>, %arg11: memref<!tpu.dma_semaphore, #tpu.memory_space<semaphore_mem>>, %arg12: memref<!tpu.dma_semaphore, #tpu.memory_space<semaphore_mem>>, %arg13: memref<!tpu.dma_semaphore, #tpu.memory_space<semaphore_mem>>) attributes {dimension_semantics = [#tpu.dimension_semantics<core_parallel>, #tpu.dimension_semantics<subcore_parallel>], iteration_bounds = array<i64: 2, 16>, scalar_prefetch = 0 : i64, scratch_operands = 9 : i64, tpu.core_type = #tpu.core_type<sc_vector_subcore>, window_params = [{transform_indices = #map}, {transform_indices = #map}, {transform_indices = #map}]} {
    %mul3A = arith.constant 2 : i32
    %mul3A_0 = arith.muli %arg1, %mul3A : i32
    %add3A = arith.addi %mul3A_0, %arg0 : i32
    %mul3A_1 = arith.constant 128 : i32
    %mul3A_2 = arith.muli %add3A, %mul3A_1 : i32
    %add3A_3 = arith.constant 28672 : i32
    %add3A_4 = arith.addi %add3A_3, %mul3A_2 : i32
    %add3A_5 = arith.constant 0 : i32
    %add3A_6 = arith.addi %add3A_4, %add3A_5 : i32
    %dma_start3A = arith.constant 0 : i32
    %dma_start3A_7 = tpu.memref_slice %arg2[%add3A_6, %dma_start3A] : memref<32768x512xf32, #tpu.memory_space<hbm>> -> memref<32x512xf32, #tpu.memory_space<hbm>>
    %dma_start3A_8 = arith.constant 0 : i32
    %dma_start3A_9 = tpu.memref_slice %arg2[%add3A_6, %dma_start3A_8] : memref<32768x512xf32, #tpu.memory_space<hbm>> -> memref<32x512xf32, #tpu.memory_space<hbm>>
    tpu.enqueue_dma source(%dma_start3A_9 : memref<32x512xf32, #tpu.memory_space<hbm>>) target(%arg5 : memref<32x512xf32, #tpu.memory_space<vmem>>) target_semaphore(%arg10 : memref<!tpu.dma_semaphore, #tpu.memory_space<semaphore_mem>>)
    %add3A_10 = arith.constant 0 : i32
    %add3A_11 = arith.addi %add3A_4, %add3A_10 : i32
    %dma_start3A_12 = arith.constant 0 : i32
    %dma_start3A_13 = tpu.memref_slice %arg3[%add3A_11, %dma_start3A_12] : memref<32768x512xf32, #tpu.memory_space<hbm>> -> memref<32x512xf32, #tpu.memory_space<hbm>>
    %dma_start3A_14 = arith.constant 0 : i32
    %dma_start3A_15 = tpu.memref_slice %arg3[%add3A_11, %dma_start3A_14] : memref<32768x512xf32, #tpu.memory_space<hbm>> -> memref<32x512xf32, #tpu.memory_space<hbm>>
    tpu.enqueue_dma source(%dma_start3A_15 : memref<32x512xf32, #tpu.memory_space<hbm>>) target(%arg7 : memref<32x512xf32, #tpu.memory_space<vmem>>) target_semaphore(%arg12 : memref<!tpu.dma_semaphore, #tpu.memory_space<semaphore_mem>>)
    %add3A_16 = arith.constant 32 : i32
    %add3A_17 = arith.addi %add3A_4, %add3A_16 : i32
    %dma_start3A_18 = arith.constant 0 : i32
    %dma_start3A_19 = tpu.memref_slice %arg2[%add3A_17, %dma_start3A_18] : memref<32768x512xf32, #tpu.memory_space<hbm>> -> memref<32x512xf32, #tpu.memory_space<hbm>>
    %dma_start3A_20 = arith.constant 0 : i32
    %dma_start3A_21 = tpu.memref_slice %arg2[%add3A_17, %dma_start3A_20] : memref<32768x512xf32, #tpu.memory_space<hbm>> -> memref<32x512xf32, #tpu.memory_space<hbm>>
    tpu.enqueue_dma source(%dma_start3A_21 : memref<32x512xf32, #tpu.memory_space<hbm>>) target(%arg6 : memref<32x512xf32, #tpu.memory_space<vmem>>) target_semaphore(%arg11 : memref<!tpu.dma_semaphore, #tpu.memory_space<semaphore_mem>>)
    %add3A_22 = arith.constant 32 : i32
    %add3A_23 = arith.addi %add3A_4, %add3A_22 : i32
    %dma_start3A_24 = arith.constant 0 : i32
    %dma_start3A_25 = tpu.memref_slice %arg3[%add3A_23, %dma_start3A_24] : memref<32768x512xf32, #tpu.memory_space<hbm>> -> memref<32x512xf32, #tpu.memory_space<hbm>>
    %dma_start3A_26 = arith.constant 0 : i32
    %dma_start3A_27 = tpu.memref_slice %arg3[%add3A_23, %dma_start3A_26] : memref<32768x512xf32, #tpu.memory_space<hbm>> -> memref<32x512xf32, #tpu.memory_space<hbm>>
    tpu.enqueue_dma source(%dma_start3A_27 : memref<32x512xf32, #tpu.memory_space<hbm>>) target(%arg8 : memref<32x512xf32, #tpu.memory_space<vmem>>) target_semaphore(%arg13 : memref<!tpu.dma_semaphore, #tpu.memory_space<semaphore_mem>>)
    %broadcast_in_dim3A = arith.constant 0.000000e+00 : f32
    %broadcast_in_dim3A_28 = vector.broadcast %broadcast_in_dim3A : f32 to vector<16xf32>
    %scan3A = arith.constant 0 : i32
    %scan3A_29 = arith.constant 2 : i32
    %scan3A_30 = arith.addi %scan3A, %scan3A_29 : i32
    %scan3A_31 = arith.constant 1 : i32
    %scan3A_32:3 = scf.for %scan3A_45 = %scan3A to %scan3A_30 step %scan3A_31 iter_args(%scan3A_46 = %broadcast_in_dim3A_28, %scan3A_47 = %broadcast_in_dim3A_28, %scan3A_48 = %broadcast_in_dim3A_28) -> (vector<16xf32>, vector<16xf32>, vector<16xf32>)  : i32 {
      %mul3A_49 = arith.constant 2 : i32
      %mul3A_50 = arith.muli %mul3A_49, %scan3A_45 : i32
      %add3A_51 = arith.constant 0 : i32
      %add3A_52 = arith.addi %mul3A_50, %add3A_51 : i32
      %dma_wait3A = arith.constant 0 : i32
      %dma_wait3A_53 = arith.constant 0 : i32
      %dma_wait3A_54 = tpu.memref_slice %arg2[%dma_wait3A, %dma_wait3A_53] : memref<32768x512xf32, #tpu.memory_space<hbm>> -> memref<32x512xf32, #tpu.memory_space<hbm>>
      %dma_wait3A_55 = arith.constant 0 : i32
      %dma_wait3A_56 = arith.constant 0 : i32
      %dma_wait3A_57 = tpu.memref_slice %arg2[%dma_wait3A_55, %dma_wait3A_56] : memref<32768x512xf32, #tpu.memory_space<hbm>> -> memref<32x512xf32, #tpu.memory_space<hbm>>
      tpu.wait_dma2 semaphore(%arg10 : memref<!tpu.dma_semaphore, #tpu.memory_space<semaphore_mem>>) src(%dma_wait3A_57 : memref<32x512xf32, #tpu.memory_space<hbm>>) dst(%arg5 : memref<32x512xf32, #tpu.memory_space<vmem>>)
      %dma_wait3A_58 = arith.constant 0 : i32
      %dma_wait3A_59 = arith.constant 0 : i32
      %dma_wait3A_60 = tpu.memref_slice %arg3[%dma_wait3A_58, %dma_wait3A_59] : memref<32768x512xf32, #tpu.memory_space<hbm>> -> memref<32x512xf32, #tpu.memory_space<hbm>>
      %dma_wait3A_61 = arith.constant 0 : i32
      %dma_wait3A_62 = arith.constant 0 : i32
      %dma_wait3A_63 = tpu.memref_slice %arg3[%dma_wait3A_61, %dma_wait3A_62] : memref<32768x512xf32, #tpu.memory_space<hbm>> -> memref<32x512xf32, #tpu.memory_space<hbm>>
      tpu.wait_dma2 semaphore(%arg12 : memref<!tpu.dma_semaphore, #tpu.memory_space<semaphore_mem>>) src(%dma_wait3A_63 : memref<32x512xf32, #tpu.memory_space<hbm>>) dst(%arg7 : memref<32x512xf32, #tpu.memory_space<vmem>>)
      %parallel_loop3A = arith.constant 0 : i32
      %parallel_loop3A_64 = arith.constant 1024 : i32
      %parallel_loop3A_65 = arith.constant 1 : i32
      %parallel_loop3A_66:3 = scf.for %parallel_loop3A_98 = %parallel_loop3A to %parallel_loop3A_64 step %parallel_loop3A_65 iter_args(%parallel_loop3A_99 = %scan3A_46, %parallel_loop3A_100 = %scan3A_47, %parallel_loop3A_101 = %scan3A_48) -> (vector<16xf32>, vector<16xf32>, vector<16xf32>)  : i32 {
        %parallel_loop3A_102 = arith.constant 5 : i32
        %parallel_loop3A_103 = arith.shrui %parallel_loop3A_98, %parallel_loop3A_102 : i32
        %parallel_loop3A_104 = arith.constant 31 : i32
        %parallel_loop3A_105 = arith.andi %parallel_loop3A_98, %parallel_loop3A_104 : i32
        %parallel_loop3A_106 = arith.constant 16 : i32
        %parallel_loop3A_107 = arith.muli %parallel_loop3A_105, %parallel_loop3A_106 : i32
        %parallel_loop3A_108 = arith.index_cast %parallel_loop3A_103 : i32 to index
        %parallel_loop3A_109 = arith.index_cast %parallel_loop3A_107 : i32 to index
        %parallel_loop3A_110 = tpu.vector_load %arg5[%parallel_loop3A_108, %parallel_loop3A_109] {strides = array<i32>} : memref<32x512xf32, #tpu.memory_space<vmem>>, vector<1x16xf32>,
        %parallel_loop3A_111 = vector.shape_cast %parallel_loop3A_110 : vector<1x16xf32> to vector<16xf32>
        %parallel_loop3A_112 = arith.index_cast %parallel_loop3A_103 : i32 to index
        %parallel_loop3A_113 = arith.index_cast %parallel_loop3A_107 : i32 to index
        %parallel_loop3A_114 = tpu.vector_load %arg7[%parallel_loop3A_112, %parallel_loop3A_113] {strides = array<i32>} : memref<32x512xf32, #tpu.memory_space<vmem>>, vector<1x16xf32>,
        %parallel_loop3A_115 = vector.shape_cast %parallel_loop3A_114 : vector<1x16xf32> to vector<16xf32>
        %parallel_loop3A_116 = arith.constant 0.000000e+00 : f32
        %parallel_loop3A_117 = vector.broadcast %parallel_loop3A_116 : f32 to vector<16xf32>
        %parallel_loop3A_118 = arith.cmpf ogt, %parallel_loop3A_115, %parallel_loop3A_117 : vector<16xf32>
        %parallel_loop3A_119 = arith.constant 1.000000e+00 : f32
        %parallel_loop3A_120 = vector.broadcast %parallel_loop3A_119 : f32 to vector<16xf32>
        %parallel_loop3A_121 = arith.subf %parallel_loop3A_120, %parallel_loop3A_111 : vector<16xf32>
        %parallel_loop3A_122 = arith.select %parallel_loop3A_118, %parallel_loop3A_111, %parallel_loop3A_121 : vector<16xi1>, vector<16xf32>
        %parallel_loop3A_123 = arith.constant 1.000000e-07 : f32
        %parallel_loop3A_124 = vector.broadcast %parallel_loop3A_123 : f32 to vector<16xf32>
        %parallel_loop3A_125 = arith.maximumf %parallel_loop3A_122, %parallel_loop3A_124 : vector<16xf32>
        %parallel_loop3A_126 = tpu.bitcast %parallel_loop3A_125 : vector<16xf32> -> vector<16xi32>
        %parallel_loop3A_127 = arith.constant 4913933 : i32
        %parallel_loop3A_128 = vector.broadcast %parallel_loop3A_127 : i32 to vector<16xi32>
        %parallel_loop3A_129 = arith.addi %parallel_loop3A_126, %parallel_loop3A_128 : vector<16xi32>
        %parallel_loop3A_130 = arith.constant 23 : i32
        %parallel_loop3A_131 = vector.broadcast %parallel_loop3A_130 : i32 to vector<16xi32>
        %parallel_loop3A_132 = arith.shrui %parallel_loop3A_129, %parallel_loop3A_131 : vector<16xi32>
        %parallel_loop3A_133 = arith.constant 127 : i32
        %parallel_loop3A_134 = vector.broadcast %parallel_loop3A_133 : i32 to vector<16xi32>
        %parallel_loop3A_135 = arith.subi %parallel_loop3A_132, %parallel_loop3A_134 : vector<16xi32>
        %parallel_loop3A_136 = arith.constant 8388607 : i32
        %parallel_loop3A_137 = vector.broadcast %parallel_loop3A_136 : i32 to vector<16xi32>
        %parallel_loop3A_138 = arith.andi %parallel_loop3A_129, %parallel_loop3A_137 : vector<16xi32>
        %parallel_loop3A_139 = arith.constant 1060439283 : i32
        %parallel_loop3A_140 = vector.broadcast %parallel_loop3A_139 : i32 to vector<16xi32>
        %parallel_loop3A_141 = arith.addi %parallel_loop3A_138, %parallel_loop3A_140 : vector<16xi32>
        %parallel_loop3A_142 = tpu.bitcast %parallel_loop3A_141 : vector<16xi32> -> vector<16xf32>
        %parallel_loop3A_143 = arith.constant 1.000000e+00 : f32
        %parallel_loop3A_144 = vector.broadcast %parallel_loop3A_143 : f32 to vector<16xf32>
        %parallel_loop3A_145 = arith.subf %parallel_loop3A_142, %parallel_loop3A_144 : vector<16xf32>
        %parallel_loop3A_146 = arith.mulf %parallel_loop3A_145, %parallel_loop3A_145 : vector<16xf32>
        %parallel_loop3A_147 = arith.constant 0.124857076 : f32
        %parallel_loop3A_148 = vector.broadcast %parallel_loop3A_147 : f32 to vector<16xf32>
        %parallel_loop3A_149 = arith.mulf %parallel_loop3A_148, %parallel_loop3A_145 : vector<16xf32>
        %parallel_loop3A_150 = arith.constant -0.180306226 : f32
        %parallel_loop3A_151 = vector.broadcast %parallel_loop3A_150 : f32 to vector<16xf32>
        %parallel_loop3A_152 = arith.addf %parallel_loop3A_149, %parallel_loop3A_151 : vector<16xf32>
        %parallel_loop3A_153 = arith.mulf %parallel_loop3A_152, %parallel_loop3A_145 : vector<16xf32>
        %parallel_loop3A_154 = arith.constant 0.201997325 : f32
        %parallel_loop3A_155 = vector.broadcast %parallel_loop3A_154 : f32 to vector<16xf32>
        %parallel_loop3A_156 = arith.addf %parallel_loop3A_153, %parallel_loop3A_155 : vector<16xf32>
        %parallel_loop3A_157 = arith.mulf %parallel_loop3A_156, %parallel_loop3A_145 : vector<16xf32>
        %parallel_loop3A_158 = arith.constant -0.249701306 : f32
        %parallel_loop3A_159 = vector.broadcast %parallel_loop3A_158 : f32 to vector<16xf32>
        %parallel_loop3A_160 = arith.addf %parallel_loop3A_157, %parallel_loop3A_159 : vector<16xf32>
        %parallel_loop3A_161 = arith.mulf %parallel_loop3A_160, %parallel_loop3A_145 : vector<16xf32>
        %parallel_loop3A_162 = arith.constant 0.333314836 : f32
        %parallel_loop3A_163 = vector.broadcast %parallel_loop3A_162 : f32 to vector<16xf32>
        %parallel_loop3A_164 = arith.addf %parallel_loop3A_161, %parallel_loop3A_163 : vector<16xf32>
        %parallel_loop3A_165 = arith.constant 5.000000e-01 : f32
        %parallel_loop3A_166 = vector.broadcast %parallel_loop3A_165 : f32 to vector<16xf32>
        %parallel_loop3A_167 = arith.mulf %parallel_loop3A_166, %parallel_loop3A_146 : vector<16xf32>
        %parallel_loop3A_168 = arith.subf %parallel_loop3A_145, %parallel_loop3A_167 : vector<16xf32>
        %parallel_loop3A_169 = arith.mulf %parallel_loop3A_146, %parallel_loop3A_145 : vector<16xf32>
        %parallel_loop3A_170 = arith.mulf %parallel_loop3A_169, %parallel_loop3A_164 : vector<16xf32>
        %parallel_loop3A_171 = arith.addf %parallel_loop3A_168, %parallel_loop3A_170 : vector<16xf32>
        %parallel_loop3A_172 = arith.sitofp %parallel_loop3A_135 : vector<16xi32> to vector<16xf32>
        %parallel_loop3A_173 = arith.constant 0.693147182 : f32
        %parallel_loop3A_174 = vector.broadcast %parallel_loop3A_173 : f32 to vector<16xf32>
        %parallel_loop3A_175 = arith.mulf %parallel_loop3A_172, %parallel_loop3A_174 : vector<16xf32>
        %parallel_loop3A_176 = arith.addf %parallel_loop3A_171, %parallel_loop3A_175 : vector<16xf32>
        %parallel_loop3A_177 = arith.addf %parallel_loop3A_99, %parallel_loop3A_176 : vector<16xf32>
        %parallel_loop3A_178 = arith.mulf %parallel_loop3A_115, %parallel_loop3A_176 : vector<16xf32>
        %parallel_loop3A_179 = arith.addf %parallel_loop3A_100, %parallel_loop3A_178 : vector<16xf32>
        %parallel_loop3A_180 = arith.addf %parallel_loop3A_101, %parallel_loop3A_115 : vector<16xf32>
        scf.yield %parallel_loop3A_177, %parallel_loop3A_179, %parallel_loop3A_180 : vector<16xf32>, vector<16xf32>, vector<16xf32>
      } {sc.loop_unroll_factor = 8 : i64, sc.parallel_access}
      %add3A_67 = arith.constant 2 : i32
      %add3A_68 = arith.addi %add3A_52, %add3A_67 : i32
      %lt3A = arith.constant 4 : i32
      %lt3A_69 = arith.cmpi slt, %add3A_68, %lt3A : i32
      %convert_element_type3A = arith.extui %lt3A_69 : i1 to i32
      %cond3A = arith.constant 0 : i32
      %cond3A_70 = arith.cmpi ne, %convert_element_type3A, %cond3A : i32
      scf.if %cond3A_70 {
        %add3A_98 = arith.constant 2 : i32
        %add3A_99 = arith.addi %add3A_52, %add3A_98 : i32
        %mul3A_100 = arith.constant 32 : i32
        %mul3A_101 = arith.muli %add3A_99, %mul3A_100 : i32
        %add3A_102 = arith.addi %add3A_4, %mul3A_101 : i32
        %dma_start3A_103 = arith.constant 0 : i32
        %dma_start3A_104 = tpu.memref_slice %arg2[%add3A_102, %dma_start3A_103] : memref<32768x512xf32, #tpu.memory_space<hbm>> -> memref<32x512xf32, #tpu.memory_space<hbm>>
        %dma_start3A_105 = arith.constant 0 : i32
        %dma_start3A_106 = tpu.memref_slice %arg2[%add3A_102, %dma_start3A_105] : memref<32768x512xf32, #tpu.memory_space<hbm>> -> memref<32x512xf32, #tpu.memory_space<hbm>>
        tpu.enqueue_dma source(%dma_start3A_106 : memref<32x512xf32, #tpu.memory_space<hbm>>) target(%arg5 : memref<32x512xf32, #tpu.memory_space<vmem>>) target_semaphore(%arg10 : memref<!tpu.dma_semaphore, #tpu.memory_space<semaphore_mem>>)
        %dma_start3A_107 = arith.constant 0 : i32
        %dma_start3A_108 = tpu.memref_slice %arg3[%add3A_102, %dma_start3A_107] : memref<32768x512xf32, #tpu.memory_space<hbm>> -> memref<32x512xf32, #tpu.memory_space<hbm>>
        %dma_start3A_109 = arith.constant 0 : i32
        %dma_start3A_110 = tpu.memref_slice %arg3[%add3A_102, %dma_start3A_109] : memref<32768x512xf32, #tpu.memory_space<hbm>> -> memref<32x512xf32, #tpu.memory_space<hbm>>
        tpu.enqueue_dma source(%dma_start3A_110 : memref<32x512xf32, #tpu.memory_space<hbm>>) target(%arg7 : memref<32x512xf32, #tpu.memory_space<vmem>>) target_semaphore(%arg12 : memref<!tpu.dma_semaphore, #tpu.memory_space<semaphore_mem>>)
      } else {
      }
      %mul3A_71 = arith.constant 2 : i32
      %mul3A_72 = arith.muli %mul3A_71, %scan3A_45 : i32
      %add3A_73 = arith.constant 1 : i32
      %add3A_74 = arith.addi %mul3A_72, %add3A_73 : i32
      %dma_wait3A_75 = arith.constant 0 : i32
      %dma_wait3A_76 = arith.constant 0 : i32
      %dma_wait3A_77 = tpu.memref_slice %arg2[%dma_wait3A_75, %dma_wait3A_76] : memref<32768x512xf32, #tpu.memory_space<hbm>> -> memref<32x512xf32, #tpu.memory_space<hbm>>
      %dma_wait3A_78 = arith.constant 0 : i32
      %dma_wait3A_79 = arith.constant 0 : i32
      %dma_wait3A_80 = tpu.memref_slice %arg2[%dma_wait3A_78, %dma_wait3A_79] : memref<32768x512xf32, #tpu.memory_space<hbm>> -> memref<32x512xf32, #tpu.memory_space<hbm>>
      tpu.wait_dma2 semaphore(%arg11 : memref<!tpu.dma_semaphore, #tpu.memory_space<semaphore_mem>>) src(%dma_wait3A_80 : memref<32x512xf32, #tpu.memory_space<hbm>>) dst(%arg6 : memref<32x512xf32, #tpu.memory_space<vmem>>)
      %dma_wait3A_81 = arith.constant 0 : i32
      %dma_wait3A_82 = arith.constant 0 : i32
      %dma_wait3A_83 = tpu.memref_slice %arg3[%dma_wait3A_81, %dma_wait3A_82] : memref<32768x512xf32, #tpu.memory_space<hbm>> -> memref<32x512xf32, #tpu.memory_space<hbm>>
      %dma_wait3A_84 = arith.constant 0 : i32
      %dma_wait3A_85 = arith.constant 0 : i32
      %dma_wait3A_86 = tpu.memref_slice %arg3[%dma_wait3A_84, %dma_wait3A_85] : memref<32768x512xf32, #tpu.memory_space<hbm>> -> memref<32x512xf32, #tpu.memory_space<hbm>>
      tpu.wait_dma2 semaphore(%arg13 : memref<!tpu.dma_semaphore, #tpu.memory_space<semaphore_mem>>) src(%dma_wait3A_86 : memref<32x512xf32, #tpu.memory_space<hbm>>) dst(%arg8 : memref<32x512xf32, #tpu.memory_space<vmem>>)
      %parallel_loop3A_87 = arith.constant 0 : i32
      %parallel_loop3A_88 = arith.constant 1024 : i32
      %parallel_loop3A_89 = arith.constant 1 : i32
      %parallel_loop3A_90:3 = scf.for %parallel_loop3A_98 = %parallel_loop3A_87 to %parallel_loop3A_88 step %parallel_loop3A_89 iter_args(%parallel_loop3A_99 = %parallel_loop3A_66#0, %parallel_loop3A_100 = %parallel_loop3A_66#1, %parallel_loop3A_101 = %parallel_loop3A_66#2) -> (vector<16xf32>, vector<16xf32>, vector<16xf32>)  : i32 {
        %parallel_loop3A_102 = arith.constant 5 : i32
        %parallel_loop3A_103 = arith.shrui %parallel_loop3A_98, %parallel_loop3A_102 : i32
        %parallel_loop3A_104 = arith.constant 31 : i32
        %parallel_loop3A_105 = arith.andi %parallel_loop3A_98, %parallel_loop3A_104 : i32
        %parallel_loop3A_106 = arith.constant 16 : i32
        %parallel_loop3A_107 = arith.muli %parallel_loop3A_105, %parallel_loop3A_106 : i32
        %parallel_loop3A_108 = arith.index_cast %parallel_loop3A_103 : i32 to index
        %parallel_loop3A_109 = arith.index_cast %parallel_loop3A_107 : i32 to index
        %parallel_loop3A_110 = tpu.vector_load %arg6[%parallel_loop3A_108, %parallel_loop3A_109] {strides = array<i32>} : memref<32x512xf32, #tpu.memory_space<vmem>>, vector<1x16xf32>,
        %parallel_loop3A_111 = vector.shape_cast %parallel_loop3A_110 : vector<1x16xf32> to vector<16xf32>
        %parallel_loop3A_112 = arith.index_cast %parallel_loop3A_103 : i32 to index
        %parallel_loop3A_113 = arith.index_cast %parallel_loop3A_107 : i32 to index
        %parallel_loop3A_114 = tpu.vector_load %arg8[%parallel_loop3A_112, %parallel_loop3A_113] {strides = array<i32>} : memref<32x512xf32, #tpu.memory_space<vmem>>, vector<1x16xf32>,
        %parallel_loop3A_115 = vector.shape_cast %parallel_loop3A_114 : vector<1x16xf32> to vector<16xf32>
        %parallel_loop3A_116 = arith.constant 0.000000e+00 : f32
        %parallel_loop3A_117 = vector.broadcast %parallel_loop3A_116 : f32 to vector<16xf32>
        %parallel_loop3A_118 = arith.cmpf ogt, %parallel_loop3A_115, %parallel_loop3A_117 : vector<16xf32>
        %parallel_loop3A_119 = arith.constant 1.000000e+00 : f32
        %parallel_loop3A_120 = vector.broadcast %parallel_loop3A_119 : f32 to vector<16xf32>
        %parallel_loop3A_121 = arith.subf %parallel_loop3A_120, %parallel_loop3A_111 : vector<16xf32>
        %parallel_loop3A_122 = arith.select %parallel_loop3A_118, %parallel_loop3A_111, %parallel_loop3A_121 : vector<16xi1>, vector<16xf32>
        %parallel_loop3A_123 = arith.constant 1.000000e-07 : f32
        %parallel_loop3A_124 = vector.broadcast %parallel_loop3A_123 : f32 to vector<16xf32>
        %parallel_loop3A_125 = arith.maximumf %parallel_loop3A_122, %parallel_loop3A_124 : vector<16xf32>
        %parallel_loop3A_126 = tpu.bitcast %parallel_loop3A_125 : vector<16xf32> -> vector<16xi32>
        %parallel_loop3A_127 = arith.constant 4913933 : i32
        %parallel_loop3A_128 = vector.broadcast %parallel_loop3A_127 : i32 to vector<16xi32>
        %parallel_loop3A_129 = arith.addi %parallel_loop3A_126, %parallel_loop3A_128 : vector<16xi32>
        %parallel_loop3A_130 = arith.constant 23 : i32
        %parallel_loop3A_131 = vector.broadcast %parallel_loop3A_130 : i32 to vector<16xi32>
        %parallel_loop3A_132 = arith.shrui %parallel_loop3A_129, %parallel_loop3A_131 : vector<16xi32>
        %parallel_loop3A_133 = arith.constant 127 : i32
        %parallel_loop3A_134 = vector.broadcast %parallel_loop3A_133 : i32 to vector<16xi32>
        %parallel_loop3A_135 = arith.subi %parallel_loop3A_132, %parallel_loop3A_134 : vector<16xi32>
        %parallel_loop3A_136 = arith.constant 8388607 : i32
        %parallel_loop3A_137 = vector.broadcast %parallel_loop3A_136 : i32 to vector<16xi32>
        %parallel_loop3A_138 = arith.andi %parallel_loop3A_129, %parallel_loop3A_137 : vector<16xi32>
        %parallel_loop3A_139 = arith.constant 1060439283 : i32
        %parallel_loop3A_140 = vector.broadcast %parallel_loop3A_139 : i32 to vector<16xi32>
        %parallel_loop3A_141 = arith.addi %parallel_loop3A_138, %parallel_loop3A_140 : vector<16xi32>
        %parallel_loop3A_142 = tpu.bitcast %parallel_loop3A_141 : vector<16xi32> -> vector<16xf32>
        %parallel_loop3A_143 = arith.constant 1.000000e+00 : f32
        %parallel_loop3A_144 = vector.broadcast %parallel_loop3A_143 : f32 to vector<16xf32>
        %parallel_loop3A_145 = arith.subf %parallel_loop3A_142, %parallel_loop3A_144 : vector<16xf32>
        %parallel_loop3A_146 = arith.mulf %parallel_loop3A_145, %parallel_loop3A_145 : vector<16xf32>
        %parallel_loop3A_147 = arith.constant 0.124857076 : f32
        %parallel_loop3A_148 = vector.broadcast %parallel_loop3A_147 : f32 to vector<16xf32>
        %parallel_loop3A_149 = arith.mulf %parallel_loop3A_148, %parallel_loop3A_145 : vector<16xf32>
        %parallel_loop3A_150 = arith.constant -0.180306226 : f32
        %parallel_loop3A_151 = vector.broadcast %parallel_loop3A_150 : f32 to vector<16xf32>
        %parallel_loop3A_152 = arith.addf %parallel_loop3A_149, %parallel_loop3A_151 : vector<16xf32>
        %parallel_loop3A_153 = arith.mulf %parallel_loop3A_152, %parallel_loop3A_145 : vector<16xf32>
        %parallel_loop3A_154 = arith.constant 0.201997325 : f32
        %parallel_loop3A_155 = vector.broadcast %parallel_loop3A_154 : f32 to vector<16xf32>
        %parallel_loop3A_156 = arith.addf %parallel_loop3A_153, %parallel_loop3A_155 : vector<16xf32>
        %parallel_loop3A_157 = arith.mulf %parallel_loop3A_156, %parallel_loop3A_145 : vector<16xf32>
        %parallel_loop3A_158 = arith.constant -0.249701306 : f32
        %parallel_loop3A_159 = vector.broadcast %parallel_loop3A_158 : f32 to vector<16xf32>
        %parallel_loop3A_160 = arith.addf %parallel_loop3A_157, %parallel_loop3A_159 : vector<16xf32>
        %parallel_loop3A_161 = arith.mulf %parallel_loop3A_160, %parallel_loop3A_145 : vector<16xf32>
        %parallel_loop3A_162 = arith.constant 0.333314836 : f32
        %parallel_loop3A_163 = vector.broadcast %parallel_loop3A_162 : f32 to vector<16xf32>
        %parallel_loop3A_164 = arith.addf %parallel_loop3A_161, %parallel_loop3A_163 : vector<16xf32>
        %parallel_loop3A_165 = arith.constant 5.000000e-01 : f32
        %parallel_loop3A_166 = vector.broadcast %parallel_loop3A_165 : f32 to vector<16xf32>
        %parallel_loop3A_167 = arith.mulf %parallel_loop3A_166, %parallel_loop3A_146 : vector<16xf32>
        %parallel_loop3A_168 = arith.subf %parallel_loop3A_145, %parallel_loop3A_167 : vector<16xf32>
        %parallel_loop3A_169 = arith.mulf %parallel_loop3A_146, %parallel_loop3A_145 : vector<16xf32>
        %parallel_loop3A_170 = arith.mulf %parallel_loop3A_169, %parallel_loop3A_164 : vector<16xf32>
        %parallel_loop3A_171 = arith.addf %parallel_loop3A_168, %parallel_loop3A_170 : vector<16xf32>
        %parallel_loop3A_172 = arith.sitofp %parallel_loop3A_135 : vector<16xi32> to vector<16xf32>
        %parallel_loop3A_173 = arith.constant 0.693147182 : f32
        %parallel_loop3A_174 = vector.broadcast %parallel_loop3A_173 : f32 to vector<16xf32>
        %parallel_loop3A_175 = arith.mulf %parallel_loop3A_172, %parallel_loop3A_174 : vector<16xf32>
        %parallel_loop3A_176 = arith.addf %parallel_loop3A_171, %parallel_loop3A_175 : vector<16xf32>
        %parallel_loop3A_177 = arith.addf %parallel_loop3A_99, %parallel_loop3A_176 : vector<16xf32>
        %parallel_loop3A_178 = arith.mulf %parallel_loop3A_115, %parallel_loop3A_176 : vector<16xf32>
        %parallel_loop3A_179 = arith.addf %parallel_loop3A_100, %parallel_loop3A_178 : vector<16xf32>
        %parallel_loop3A_180 = arith.addf %parallel_loop3A_101, %parallel_loop3A_115 : vector<16xf32>
        scf.yield %parallel_loop3A_177, %parallel_loop3A_179, %parallel_loop3A_180 : vector<16xf32>, vector<16xf32>, vector<16xf32>
      } {sc.loop_unroll_factor = 8 : i64, sc.parallel_access}
      %add3A_91 = arith.constant 2 : i32
      %add3A_92 = arith.addi %add3A_74, %add3A_91 : i32
      %lt3A_93 = arith.constant 4 : i32
      %lt3A_94 = arith.cmpi slt, %add3A_92, %lt3A_93 : i32
      %convert_element_type3A_95 = arith.extui %lt3A_94 : i1 to i32
      %cond3A_96 = arith.constant 0 : i32
      %cond3A_97 = arith.cmpi ne, %convert_element_type3A_95, %cond3A_96 : i32
      scf.if %cond3A_97 {
        %add3A_98 = arith.constant 2 : i32
        %add3A_99 = arith.addi %add3A_74, %add3A_98 : i32
        %mul3A_100 = arith.constant 32 : i32
        %mul3A_101 = arith.muli %add3A_99, %mul3A_100 : i32
        %add3A_102 = arith.addi %add3A_4, %mul3A_101 : i32
        %dma_start3A_103 = arith.constant 0 : i32
        %dma_start3A_104 = tpu.memref_slice %arg2[%add3A_102, %dma_start3A_103] : memref<32768x512xf32, #tpu.memory_space<hbm>> -> memref<32x512xf32, #tpu.memory_space<hbm>>
        %dma_start3A_105 = arith.constant 0 : i32
        %dma_start3A_106 = tpu.memref_slice %arg2[%add3A_102, %dma_start3A_105] : memref<32768x512xf32, #tpu.memory_space<hbm>> -> memref<32x512xf32, #tpu.memory_space<hbm>>
        tpu.enqueue_dma source(%dma_start3A_106 : memref<32x512xf32, #tpu.memory_space<hbm>>) target(%arg6 : memref<32x512xf32, #tpu.memory_space<vmem>>) target_semaphore(%arg11 : memref<!tpu.dma_semaphore, #tpu.memory_space<semaphore_mem>>)
        %dma_start3A_107 = arith.constant 0 : i32
        %dma_start3A_108 = tpu.memref_slice %arg3[%add3A_102, %dma_start3A_107] : memref<32768x512xf32, #tpu.memory_space<hbm>> -> memref<32x512xf32, #tpu.memory_space<hbm>>
        %dma_start3A_109 = arith.constant 0 : i32
        %dma_start3A_110 = tpu.memref_slice %arg3[%add3A_102, %dma_start3A_109] : memref<32768x512xf32, #tpu.memory_space<hbm>> -> memref<32x512xf32, #tpu.memory_space<hbm>>
        tpu.enqueue_dma source(%dma_start3A_110 : memref<32x512xf32, #tpu.memory_space<hbm>>) target(%arg8 : memref<32x512xf32, #tpu.memory_space<vmem>>) target_semaphore(%arg13 : memref<!tpu.dma_semaphore, #tpu.memory_space<semaphore_mem>>)
      } else {
      }
      scf.yield %parallel_loop3A_90#0, %parallel_loop3A_90#1, %parallel_loop3A_90#2 : vector<16xf32>, vector<16xf32>, vector<16xf32>
    }
    %scan3A_33 = arith.constant 2 : i32
    %swap3A = arith.constant 0 : index
    %swap3A_34 = tpu.vector_load %arg9[%swap3A] {strides = array<i32>} : memref<48xf32, #tpu.memory_space<vmem>>, vector<16xf32>,
    %swap3A_35 = vector.shape_cast %swap3A_34 : vector<16xf32> to vector<16xf32>
    %swap3A_36 = vector.shape_cast %scan3A_32#0 : vector<16xf32> to vector<16xf32>
    tpu.vector_store %arg9[%swap3A], %swap3A_36 {strides = array<i32>} : memref<48xf32, #tpu.memory_space<vmem>>, vector<16xf32>,
    %swap3A_37 = arith.constant 16 : index
    %swap3A_38 = tpu.vector_load %arg9[%swap3A_37] {strides = array<i32>} : memref<48xf32, #tpu.memory_space<vmem>>, vector<16xf32>,
    %swap3A_39 = vector.shape_cast %swap3A_38 : vector<16xf32> to vector<16xf32>
    %swap3A_40 = vector.shape_cast %scan3A_32#1 : vector<16xf32> to vector<16xf32>
    tpu.vector_store %arg9[%swap3A_37], %swap3A_40 {strides = array<i32>} : memref<48xf32, #tpu.memory_space<vmem>>, vector<16xf32>,
    %swap3A_41 = arith.constant 32 : index
    %swap3A_42 = tpu.vector_load %arg9[%swap3A_41] {strides = array<i32>} : memref<48xf32, #tpu.memory_space<vmem>>, vector<16xf32>,
    %swap3A_43 = vector.shape_cast %swap3A_42 : vector<16xf32> to vector<16xf32>
    %swap3A_44 = vector.shape_cast %scan3A_32#2 : vector<16xf32> to vector<16xf32>
    tpu.vector_store %arg9[%swap3A_41], %swap3A_44 {strides = array<i32>} : memref<48xf32, #tpu.memory_space<vmem>>, vector<16xf32>,
    "tpu.region"() ({
      %run_scoped3A = tpu.sem_alloc : memref<!tpu.dma_semaphore, #tpu.memory_space<semaphore_mem>>
      %dma_start3A_45 = arith.constant 0 : i32
      %dma_start3A_46 = tpu.memref_slice %arg4[%add3A, %dma_start3A_45] : memref<32x48xf32, #tpu.memory_space<hbm>> -> memref<1x48xf32, #tpu.memory_space<hbm>>
      %dma_start3A_47 = tpu.memref_squeeze %dma_start3A_46 : memref<1x48xf32, #tpu.memory_space<hbm>> -> memref<48xf32, #tpu.memory_space<hbm>>
      %dma_start3A_48 = arith.constant 0 : i32
      %dma_start3A_49 = tpu.memref_slice %arg4[%add3A, %dma_start3A_48] : memref<32x48xf32, #tpu.memory_space<hbm>> -> memref<1x48xf32, #tpu.memory_space<hbm>>
      %dma_start3A_50 = tpu.memref_squeeze %dma_start3A_49 : memref<1x48xf32, #tpu.memory_space<hbm>> -> memref<48xf32, #tpu.memory_space<hbm>>
      tpu.enqueue_dma source(%arg9 : memref<48xf32, #tpu.memory_space<vmem>>) target(%dma_start3A_50 : memref<48xf32, #tpu.memory_space<hbm>>) target_semaphore(%run_scoped3A : memref<!tpu.dma_semaphore, #tpu.memory_space<semaphore_mem>>)
      %dma_wait3A = arith.constant 0 : i32
      %dma_wait3A_51 = tpu.memref_slice %arg4[%add3A, %dma_wait3A] : memref<32x48xf32, #tpu.memory_space<hbm>> -> memref<1x48xf32, #tpu.memory_space<hbm>>
      %dma_wait3A_52 = tpu.memref_squeeze %dma_wait3A_51 : memref<1x48xf32, #tpu.memory_space<hbm>> -> memref<48xf32, #tpu.memory_space<hbm>>
      %dma_wait3A_53 = arith.constant 0 : i32
      %dma_wait3A_54 = tpu.memref_slice %arg4[%add3A, %dma_wait3A_53] : memref<32x48xf32, #tpu.memory_space<hbm>> -> memref<1x48xf32, #tpu.memory_space<hbm>>
      %dma_wait3A_55 = tpu.memref_squeeze %dma_wait3A_54 : memref<1x48xf32, #tpu.memory_space<hbm>> -> memref<48xf32, #tpu.memory_space<hbm>>
      tpu.wait_dma2 semaphore(%run_scoped3A : memref<!tpu.dma_semaphore, #tpu.memory_space<semaphore_mem>>) src(%arg9 : memref<48xf32, #tpu.memory_space<vmem>>) dst(%dma_wait3A_55 : memref<48xf32, #tpu.memory_space<hbm>>)
      tpu.yield
    }) : () -> ()
    return
  }
}

module attributes {stable_mosaic.version = 14 : i64} {
  func.func @_tc_body(%arg0: i32, %arg1: memref<4x512x512xf32, #tpu.memory_space<vmem>>, %arg2: memref<4x512x512xf32, #tpu.memory_space<vmem>>, %arg3: memref<1x1xf32, #tpu.memory_space<smem>>, %arg4: memref<1x1xf32, #tpu.memory_space<smem>>, %arg5: memref<1x1xf32, #tpu.memory_space<smem>>) attributes {dimension_semantics = [#tpu.dimension_semantics<arbitrary>], iteration_bounds = array<i64: 14>, scalar_prefetch = 0 : i64, scratch_operands = 0 : i64, tpu.core_type = #tpu.core_type<tc>, window_params = [{transform_indices = @transform_0, window_bounds = array<i64: 4, 512, 512>}, {transform_indices = @transform_1, window_bounds = array<i64: 4, 512, 512>}, {transform_indices = @transform_2, window_bounds = array<i64: 1, 1>}, {transform_indices = @transform_3, window_bounds = array<i64: 1, 1>}, {transform_indices = @transform_4, window_bounds = array<i64: 1, 1>}]} {
    %get3A = arith.constant 0 : index
    %get3A_0 = arith.constant 0 : index
    %get3A_1 = arith.constant 0 : index
    %get3A_2 = vector.load %arg1[%get3A, %get3A_0, %get3A_1] : memref<4x512x512xf32, #tpu.memory_space<vmem>>, vector<4x512x512xf32>
    %get3A_3 = arith.constant 0 : index
    %get3A_4 = arith.constant 0 : index
    %get3A_5 = arith.constant 0 : index
    %get3A_6 = vector.load %arg2[%get3A_3, %get3A_4, %get3A_5] : memref<4x512x512xf32, #tpu.memory_space<vmem>>, vector<4x512x512xf32>
    %gt3A = arith.constant 0.000000e+00 : f32
    %gt3A_7 = vector.broadcast %gt3A : f32 to vector<4x512x512xf32>
    %gt3A_8 = arith.cmpf ogt, %get3A_6, %gt3A_7 : vector<4x512x512xf32>
    %sub3A = arith.constant 1.000000e+00 : f32
    %sub3A_9 = vector.broadcast %sub3A : f32 to vector<4x512x512xf32>
    %sub3A_10 = arith.subf %sub3A_9, %get3A_2 : vector<4x512x512xf32>
    %select_n3A = arith.select %gt3A_8, %get3A_2, %sub3A_10 : vector<4x512x512xi1>, vector<4x512x512xf32>
    %max3A = arith.constant 1.000000e-07 : f32
    %max3A_11 = vector.broadcast %max3A : f32 to vector<4x512x512xf32>
    %max3A_12 = arith.maximumf %select_n3A, %max3A_11 : vector<4x512x512xf32>
    %log3A = math.log %max3A_12 : vector<4x512x512xf32>
    %log3A_13 = arith.constant 2.000000e+00 : f32
    %log3A_14 = math.log %log3A_13 : f32
    %div3A = vector.broadcast %log3A_14 : f32 to vector<4x512x512xf32>
    %div3A_15 = arith.divf %log3A, %div3A : vector<4x512x512xf32>
    %eq3A = arith.constant 0 : i32
    %eq3A_16 = arith.cmpi eq, %arg0, %eq3A : i32
    %convert_element_type3A = arith.extui %eq3A_16 : i1 to i32
    %cond3A = arith.constant 0 : i32
    %cond3A_17 = arith.cmpi ne, %convert_element_type3A, %cond3A : i32
    scf.if %cond3A_17 {
      %swap3A_51 = arith.constant 0.000000e+00 : f32
      %swap3A_52 = arith.constant 0 : index
      %swap3A_53 = arith.constant 0 : index
      %swap3A_54 = memref.load %arg3[%swap3A_52, %swap3A_53] : memref<1x1xf32, #tpu.memory_space<smem>>
      memref.store %swap3A_51, %arg3[%swap3A_52, %swap3A_53] : memref<1x1xf32, #tpu.memory_space<smem>>
      %swap3A_55 = arith.constant 0.000000e+00 : f32
      %swap3A_56 = arith.constant 0 : index
      %swap3A_57 = arith.constant 0 : index
      %swap3A_58 = memref.load %arg4[%swap3A_56, %swap3A_57] : memref<1x1xf32, #tpu.memory_space<smem>>
      memref.store %swap3A_55, %arg4[%swap3A_56, %swap3A_57] : memref<1x1xf32, #tpu.memory_space<smem>>
      %swap3A_59 = arith.constant 0.000000e+00 : f32
      %swap3A_60 = arith.constant 0 : index
      %swap3A_61 = arith.constant 0 : index
      %swap3A_62 = memref.load %arg5[%swap3A_60, %swap3A_61] : memref<1x1xf32, #tpu.memory_space<smem>>
      memref.store %swap3A_59, %arg5[%swap3A_60, %swap3A_61] : memref<1x1xf32, #tpu.memory_space<smem>>
    } else {
    }
    %get3A_18 = arith.constant 0 : index
    %get3A_19 = arith.constant 0 : index
    %get3A_20 = memref.load %arg3[%get3A_18, %get3A_19] : memref<1x1xf32, #tpu.memory_space<smem>>
    %reduce_sum3A = vector.shape_cast %div3A_15 : vector<4x512x512xf32> to vector<1x4x512x512xf32>
    %reduce_sum3A_21 = arith.constant dense<0.000000e+00> : vector<1xf32>
    %reduce_sum3A_22 = vector.multi_reduction <add>, %reduce_sum3A, %reduce_sum3A_21 [1, 2, 3] : vector<1x4x512x512xf32> to vector<1xf32>
    %reduce_sum3A_23 = vector.shape_cast %reduce_sum3A_22 : vector<1xf32> to vector<1x1x1x1xf32>
    %reduce_sum3A_24 = vector.extract %reduce_sum3A_23[0, 0, 0, 0] : f32 from vector<1x1x1x1xf32>
    %add3A = arith.addf %get3A_20, %reduce_sum3A_24 : f32
    %swap3A = arith.constant 0 : index
    %swap3A_25 = arith.constant 0 : index
    %swap3A_26 = memref.load %arg3[%swap3A, %swap3A_25] : memref<1x1xf32, #tpu.memory_space<smem>>
    memref.store %add3A, %arg3[%swap3A, %swap3A_25] : memref<1x1xf32, #tpu.memory_space<smem>>
    %get3A_27 = arith.constant 0 : index
    %get3A_28 = arith.constant 0 : index
    %get3A_29 = memref.load %arg4[%get3A_27, %get3A_28] : memref<1x1xf32, #tpu.memory_space<smem>>
    %mul3A = arith.mulf %get3A_6, %div3A_15 : vector<4x512x512xf32>
    %reduce_sum3A_30 = vector.shape_cast %mul3A : vector<4x512x512xf32> to vector<1x4x512x512xf32>
    %reduce_sum3A_31 = arith.constant dense<0.000000e+00> : vector<1xf32>
    %reduce_sum3A_32 = vector.multi_reduction <add>, %reduce_sum3A_30, %reduce_sum3A_31 [1, 2, 3] : vector<1x4x512x512xf32> to vector<1xf32>
    %reduce_sum3A_33 = vector.shape_cast %reduce_sum3A_32 : vector<1xf32> to vector<1x1x1x1xf32>
    %reduce_sum3A_34 = vector.extract %reduce_sum3A_33[0, 0, 0, 0] : f32 from vector<1x1x1x1xf32>
    %add3A_35 = arith.addf %get3A_29, %reduce_sum3A_34 : f32
    %swap3A_36 = arith.constant 0 : index
    %swap3A_37 = arith.constant 0 : index
    %swap3A_38 = memref.load %arg4[%swap3A_36, %swap3A_37] : memref<1x1xf32, #tpu.memory_space<smem>>
    memref.store %add3A_35, %arg4[%swap3A_36, %swap3A_37] : memref<1x1xf32, #tpu.memory_space<smem>>
    %get3A_39 = arith.constant 0 : index
    %get3A_40 = arith.constant 0 : index
    %get3A_41 = memref.load %arg5[%get3A_39, %get3A_40] : memref<1x1xf32, #tpu.memory_space<smem>>
    %reduce_sum3A_42 = vector.shape_cast %get3A_6 : vector<4x512x512xf32> to vector<1x4x512x512xf32>
    %reduce_sum3A_43 = arith.constant dense<0.000000e+00> : vector<1xf32>
    %reduce_sum3A_44 = vector.multi_reduction <add>, %reduce_sum3A_42, %reduce_sum3A_43 [1, 2, 3] : vector<1x4x512x512xf32> to vector<1xf32>
    %reduce_sum3A_45 = vector.shape_cast %reduce_sum3A_44 : vector<1xf32> to vector<1x1x1x1xf32>
    %reduce_sum3A_46 = vector.extract %reduce_sum3A_45[0, 0, 0, 0] : f32 from vector<1x1x1x1xf32>
    %add3A_47 = arith.addf %get3A_41, %reduce_sum3A_46 : f32
    %swap3A_48 = arith.constant 0 : index
    %swap3A_49 = arith.constant 0 : index
    %swap3A_50 = memref.load %arg5[%swap3A_48, %swap3A_49] : memref<1x1xf32, #tpu.memory_space<smem>>
    memref.store %add3A_47, %arg5[%swap3A_48, %swap3A_49] : memref<1x1xf32, #tpu.memory_space<smem>>
    return
  }
  func.func @transform_0(%arg0: i32) -> (i32, i32, i32) {
    %c0_i32 = arith.constant 0 : i32
    %c0_i32_0 = arith.constant 0 : i32
    %c0_i32_1 = arith.constant 0 : i32
    return %arg0, %c0_i32, %c0_i32_0 : i32, i32, i32
  }
  func.func @transform_1(%arg0: i32) -> (i32, i32, i32) {
    %c0_i32 = arith.constant 0 : i32
    %c0_i32_0 = arith.constant 0 : i32
    %c0_i32_1 = arith.constant 0 : i32
    return %arg0, %c0_i32, %c0_i32_0 : i32, i32, i32
  }
  func.func @transform_2(%arg0: i32) -> (i32, i32) {
    %c0_i32 = arith.constant 0 : i32
    %c0_i32_0 = arith.constant 0 : i32
    %c0_i32_1 = arith.constant 0 : i32
    return %c0_i32, %c0_i32_0 : i32, i32
  }
  func.func @transform_3(%arg0: i32) -> (i32, i32) {
    %c0_i32 = arith.constant 0 : i32
    %c0_i32_0 = arith.constant 0 : i32
    %c0_i32_1 = arith.constant 0 : i32
    return %c0_i32, %c0_i32_0 : i32, i32
  }
  func.func @transform_4(%arg0: i32) -> (i32, i32) {
    %c0_i32 = arith.constant 0 : i32
    %c0_i32_0 = arith.constant 0 : i32
    %c0_i32_1 = arith.constant 0 : i32
    return %c0_i32, %c0_i32_0 : i32, i32
  }
}

</mosaic_0001>

<sc_bundles>
// kernel: kernel.4.cloned.1.call-start
scs
__scs_entry_jumppad:
0x0: {  	(pc) =	sbr.rel $0x88, $3  }
0x1: {  	(tag) =	ssettag $0x0;
	lr =	simm.s32 $0x1  }
0x2: {  	[smem:$0x3F9F] =	sst lr;
	_ =	strace $0xD0000000  }
0x3: {  	_ = 	snop  }
0x4: {  	_ = 	snop  }
0x5: {  	_ = 	snop  }
0x6: {  	_ = 	snop  }
0x7: {  	_ = 	snop  }
__scs_overlays_trampoline_lowered:
0x8: {  	[smem:$0x3FAE] =	sst s0  }
0x9: {  	[smem:$0x3FAF] =	sst s1  }
0xa: {  	[smem:$0x3FB0] =	sst s2  }
0xb: {  	[smem:$0x3FB1] =	sst s3  }
0xc: {  	[smem:$0x3FB2] =	sst s4  }
0xd: {  	[smem:$0x3FB3] =	sst s5  }
0xe: {  	[smem:$0x3FB4] =	sst s6  }
0xf: {  	[smem:$0x3FB5] =	sst s7  }
0x10: {  	[smem:$0x3FB6] =	sst s8  }
0x11: {  	[smem:$0x3FB7] =	sst s9;
	s0 =	simm.s32 @!p0 $0x0  }
0x12: {  	s1 =	sld [smem:$0x3F9D];
	s0 =	simm.s32 @p0 $0x1  }
0x13: {  	[smem:$0x3FB8] =	sst s0;
	s0 =	simm.s32 @!p1 $0x0  }
0x14: {  	s2 =	sld [smem:$0x3F9C];
	s0 =	simm.s32 @p1 $0x1  }
0x15: {  	[smem:$0x3FB9] =	sst s0;
	s0 =	simm.s32 @!p2 $0x0  }
0x16: {  	s3 =	sld [smem:$0x3FDB];
	s0 =	simm.s32 @p2 $0x1  }
0x17: {  	s4 =	simm.s32 $0x1BF5;
	[smem:$0x3FBB] =	sst s0  }
0x18: {  	s0 =	sld [smem:$0x3F9E];
	_ =	swait.ge [sflag:s4], $0x0  }
0x19: {  	s7 =	sld [smem:$0x3F9F]  }
0x1a: {  	s8 =	sadd.s32 $0xFFFFE003, lr  }
0x1b: {  	s9 =	sadd.s32 $0xFFFFFEF7, lr;
	s5 =	simm.s32 $0xFFFFFFFF;
	p2 =	slt.u32 s8, $0xFFFFF086  }
0x1c: {  	p1 =	slt.u32 s9, $0xF7A;
	s5 =	simm.s32 @!p2 $0x0  }
0x1d: {  	s5 =	simm.s32 @p1 $0x1;
	p0 =	seq.s32 s7, s2  }
0x1e: {  	s7 =	smul.u32 @!p0 $0xF7A, s2;
	p2 =	seq.s32 @!p0 s5, $0x0  }
0x1f: {  	s9 =	smul.u32 $0xF7A, s1;
	s8 =	simm.s32 @!p0 $0x1BF5;
	p2 =	por !p2, p0  }
0x20: {  	[sflag:s8] =	ssyncset.s32 @!p0 $0xFFFFF086;
	s6 =	sadd.s32 @!p0 s3, s7;
	s7 =	simm.s32 @!p0 $0x108  }
0x21: {  	s3 =	sadd.s32 s3, s9;
	s6 =	sadd.s32 @!p0 $0x88, s6;
	s7 =	simm.s32 @p2 $0x1082  }
0x22: {  	[simem:s7], [sflag:s8] =	dma.local @!p0 [hbm:s6], $0xF7A  }
0x23: {  	s9 =	sor.u32 $0xD0000000, s2;
	s6 =	simm.s32 $0x108;
	_ =	swait.ge @!p0 [sflag:s8], $0x0  }
0x24: {  	s3 =	sadd.s32 $0x88, s3;
	s6 =	simm.s32 @!p1 $0x1082;
	[sflag:s4] =	ssyncset.s32 $0xFFFFF086  }
0x25: {  	[simem:s6], [sflag:s4] =	dma.local [hbm:s3], $0xF7A  }
0x26: {  	[smem:$0x3F9F] =	sst s1;
	(tag) =	ssettag s2;
	_ =	strace s9  }
0x27: {  	s1 =	sld [smem:$0x3FAF]  }
0x28: {  	s2 =	sld [smem:$0x3FB0]  }
0x29: {  	s4 =	sld [smem:$0x3FB2]  }
0x2a: {  	p0 =	seq.s32 s5, $0x0;
	s5 =	sld [smem:$0x3FB3]  }
0x2b: {  	s6 =	sld [smem:$0x3FB4]  }
0x2c: {  	s7 =	sld [smem:$0x3FB5]  }
0x2d: {  	s3 =	simm.s32 $0x108;
	s8 =	sld [smem:$0x3FB6]  }
0x2e: {  	s3 =	simm.s32 @!p0 $0x1082;
	s9 =	sld [smem:$0x3FB7]  }
0x2f: {  	lr =	sadd.s32 s0, s3;
	s0 =	sld [smem:$0x3FAE]  }
0x30: {  	s3 =	sld [smem:$0x3FB1]  }
0x31: {  	[smem:$0x3FBA] =	sst s10  }
0x32: {  	s10 =	sld [smem:$0x3FB8];
	_ =	sdelay $0x3  }
0x33: {  	p0 =	seq.s32 s10, $0x1;
	s10 =	sld [smem:$0x3FBA];
	_ =	sdelay $0x3  }
0x34: {  	[smem:$0x3FBA] =	sst s10  }
0x35: {  	s10 =	sld [smem:$0x3FB9];
	_ =	sdelay $0x3  }
0x36: {  	p1 =	seq.s32 s10, $0x1;
	s10 =	sld [smem:$0x3FBA];
	_ =	sdelay $0x3  }
0x37: {  	[smem:$0x3FBA] =	sst s10  }
0x38: {  	s10 =	sld [smem:$0x3FBB]  }
0x39: {  	_ = 	snop;
	(pc) =	sbr.ind lr, $3  }
0x3a: {  	_ = 	snop  }
0x3b: {  	_ = 	snop  }
0x3c: {  	p2 =	seq.s32 s10, $0x1;
	s10 =	sld [smem:$0x3FBA]  }
0x3d: {  	_ =	shalt  }
0x3e: {  	_ =	shalt  }
0x3f: {  	_ =	shalt  }
0x40: {  	_ =	shalt  }
0x41: {  	_ =	shalt  }
0x42: {  	_ =	shalt  }
0x43: {  	_ =	shalt  }
0x44: {  	_ =	shalt  }
0x45: {  	_ =	shalt  }
0x46: {  	_ =	shalt  }
0x47: {  	_ =	shalt  }
0x48: {  	_ =	shalt  }
0x49: {  	_ =	shalt  }
0x4a: {  	_ =	shalt  }
0x4b: {  	_ =	shalt  }
0x4c: {  	_ =	shalt  }
0x4d: {  	_ =	shalt  }
0x4e: {  	_ =	shalt  }
0x4f: {  	_ =	shalt  }
0x50: {  	_ =	shalt  }
0x51: {  	_ =	shalt  }
0x52: {  	_ =	shalt  }
0x53: {  	_ =	shalt  }
0x54: {  	_ =	shalt  }
0x55: {  	_ =	shalt  }
0x56: {  	_ =	shalt  }
0x57: {  	_ =	shalt  }
0x58: {  	_ =	shalt  }
0x59: {  	_ =	shalt  }
0x5a: {  	_ =	shalt  }
0x5b: {  	_ =	shalt  }
0x5c: {  	_ =	shalt  }
0x5d: {  	_ =	shalt  }
0x5e: {  	_ =	shalt  }
0x5f: {  	_ =	shalt  }
0x60: {  	_ =	shalt  }
0x61: {  	_ =	shalt  }
0x62: {  	_ =	shalt  }
0x63: {  	_ =	shalt  }
0x64: {  	_ =	shalt  }
0x65: {  	_ =	shalt  }
0x66: {  	_ =	shalt  }
0x67: {  	_ =	shalt  }
0x68: {  	_ =	shalt  }
0x69: {  	_ =	shalt  }
0x6a: {  	_ =	shalt  }
0x6b: {  	_ =	shalt  }
0x6c: {  	_ =	shalt  }
0x6d: {  	_ =	shalt  }
0x6e: {  	_ =	shalt  }
0x6f: {  	_ =	shalt  }
0x70: {  	_ =	shalt  }
0x71: {  	_ =	shalt  }
0x72: {  	_ =	shalt  }
0x73: {  	_ =	shalt  }
0x74: {  	_ =	shalt  }
0x75: {  	_ =	shalt  }
0x76: {  	_ =	shalt  }
0x77: {  	_ =	shalt  }
0x78: {  	_ =	shalt  }
0x79: {  	_ =	shalt  }
0x7a: {  	_ =	shalt  }
0x7b: {  	_ =	shalt  }
0x7c: {  	_ =	shalt  }
0x7d: {  	_ =	shalt  }
0x7e: {  	_ =	shalt  }
0x7f: {  	_ =	shalt  }
0x80: {  	_ =	shalt  }
0x81: {  	_ =	shalt  }
0x82: {  	_ =	shalt  }
0x83: {  	_ =	shalt  }
0x84: {  	_ =	shalt  }
0x85: {  	_ =	shalt  }
0x86: {  	_ =	shalt  }
0x87: {  	_ =	shalt  }
.Lfunc_end0:
.L_simem_size_0:
called_computation_lowered:
.L_overlay_start_0:
0x88: {  	s2 =	sld [smem:$0x3FD9]  }
0x89: {  	s3 =	sld [smem:$0x3FFE];
	_ =	sdelay $0x1  }
0x8a: {  	s1 =	srdreg.scid  }
0x8b: {  	s0 =	sand.u32 $0x1, s1  }
0x8c: {  	s17 =	sshll.u32 s0, $0xA;
	s2 =	sadd.s32 s3, s2  }
0x8d: {  	s2 =	sadd.s32 s2, s17  }
0x8e: {  	[smem:$0x3FC6] =	sst s2  }
0x8f: {  	_ = 	snop  }
0x90: {  	s2 =	sld [smem:$0x3FC9]  }
0x91: {  	s18 =	sld [smem:$0x3FC8];
	(tm) =	ssettm $0x1  }
0x92: {  	s4 =	sld [smem:$0x3FFB];
	_ =	sdelay $0x3  }
0x93: {  	_ =	strace s4  }
0x94: {  	s4 =	sld [smem:$0x3FFC];
	_ =	sdelay $0x3  }
0x95: {  	_ =	strace s4  }
0x96: {  	s4 =	sld [smem:$0x3FFD];
	_ =	sdelay $0x3  }
0x97: {  	_ =	strace s4  }
0x98: {  	_ =	strace $0x8FFFFFFF  }
0x99: {  	s19 =	sld [smem:$0x3FDB];
	_ =	sdelay $0x1  }
0x9a: {  	s5 =	simm.s32 $_scs_section_size  }
0x9b: {  	s6 =	simm.s32 $_size__tile_overlayer_lowered;
	s7 =	simm.s32 $_tile_overlayer_lowered  }
0x9c: {  	s22 =	simm.s32 $0x1BFF;
	s21 =	sshll.u32 s7, $0x1;
	s4 =	sadd.s32 s5, s19  }
0x9d: {  	s8 =	simm.s32 $0x0;
	s20 =	sshll.u32 s6, $0x1;
	s6 =	sadd.s32 s21, s4  }
0x9e: {  	[timem:s8], [sflag:s22] =	dma.local [hbm:s6], s20  }
0x9f: {  	_ =	swait.ge [sflag:s22], s20  }
0xa0: {  	s5 =	ssub.s32 $0x0, s20;
	[sflag:s22] =	ssyncset.done $0x0  }
0xa1: {  	[sflag:s22] =	ssyncadd.s32 s5;
	_ =	sdelay $0x1  }
0xa2: {  	s23 =	simm.s32 $0x1B8B  }
0xa3: {  	_ =	swait.ge [sflag:s23], $0x1  }
0xa4: {  	[sflag:s23] =	ssyncset.done $0x0  }
0xa5: {  	s25 =	simm.s32 $0x1B8E;
	s24 =	sld [smem:$0x3FFE];
	[sflag:s23] =	ssyncadd.s32 $0xFFFFFFFF  }
0xa6: {  	s26 =	simm.s32 $execute0_lowered;
	[smem:$0x3FD2] =	sst s25  }
0xa7: {  	s6 =	sshll.u32 s26, $0x1;
	_ =	strace $0x80000046;
	[dreg:$0x1] =	wrdreg $0xFFFFFFFF  }
0xa8: {  	s28 =	simm.s32 $_size_execute0_lowered;
	s4 =	sadd.s32 s4, s6;
	[dreg:$0x0] =	wrdreg $0x0  }
0xa9: {  	s6 =	sshll.u32 s28, $0x1;
	[dreg:$0x2] =	wrdreg s4  }
0xaa: {  	[dreg:$0x3] =	wrdreg s6  }
0xab: {  	[dreg:$0x4] =	wrdreg $0xC0  }
0xac: {  	_ =	task [dreg:s8], $0x5FFFF  }
0xad: {  	[dreg:$0x1] =	wrdreg $0xFFFFFFFF  }
0xae: {  	[dreg:$0x0] =	wrdreg $0x60  }
0xaf: {  	[dreg:$0x2] =	wrdreg s2  }
0xb0: {  	[dreg:$0x3] =	wrdreg s18  }
0xb1: {  	[dreg:$0x4] =	wrdreg s24  }
0xb2: {  	[dreg:$0x5] =	wrdreg $0x9  }
0xb3: {  	_ =	task.clear_ibuf [dreg:s8], $0x6FFFF;
	_ =	strace $0x90000046  }
0xb4: {  	s29 =	simm.s32 $0x9;
	_ =	strace $0x80000048  }
0xb5: {  	_ =	swait.ge [sflag:s29], $0x1  }
0xb6: {  	[sflag:s29] =	ssyncadd.s32 $0xFFFFFFFF  }
0xb7: {  	_ =	strace $0x90000048  }
0xb8: {  	_ =	sfence  }
0xb9: {  	s30 =	sld [smem:$0x0];
	_ =	sdelay $0x2  }
0xba: {  	s31 =	sshll.u32 s1, $0xD;
	s1 =	sshrl.u32 s1, $0x2  }
0xbb: {  	s3 =	sand.u32 $0x4000, s31;
	s1 =	sadd.s32 s1, s30  }
0xbc: {  	s0 =	sor.u32 s3, s0;
	s1 =	sshll.u32 s1, $0x11  }
0xbd: {  	s0 =	sor.u32 s1, s0  }
0xbe: {  	s0 =	sadd.s32 $0x8F2B, s0  }
0xbf: {  	[sflag:s0] =	ssyncadd.remote.s32 $0x1  }
0xc0: {  	_ =	sfence.sel $0xFFFF  }
0xc1: {  	[dreg:$0x0] =	wrdreg $0xFFFFFFFF;
	(pc) =	sbr.abs _section_cstart, $3  }
0xc2: {  	[dreg:$0x1] =	wrdreg $0xFFFFFFFF  }
0xc3: {  	_ =	task.clear_ibuf [dreg:s8], $0x2FFFF;
	_ =	strace $0x9FFFFFFF  }
0xc4: {  	(tm) =	ssettm $0x7FFFFFFF  }
0xc5: {  	_ =	shalt  }
tec
execute0_lowered:
.L_overlay_start_1:
0x0: {  	(tag) =	ssettag $0x1  }
0x1: {  	s9 =	rddreg [dreg:$0x0]  }
0x2: {  	s10 =	rddreg [dreg:$0x1]  }
0x3: {  	s11 =	rddreg [dreg:$0x2];
	s2 =	srdreg.scid  }
0x4: {  	s1 =	stileid.u32;
	s0 =	rddreg [dreg:$0x3]  }
0x5: {  	s16 =	simm.s32 $0x1;
	s17 =	simm.s32 $0x3;
	s18 =	simm.s32 $0x2  }
0x6: {  	s19 =	simm.s32 $0x4;
	s20 =	simm.s32 $0x10000;
	s21 =	simm.s32 $0x5  }
0x7: {  	s22 =	simm.s32 $0x0;
	s3 =	sand.u32 $0x1, s2;
	s4 =	sshll.u32 s1, $0x1  }
0x8: {  	s2 =	simm.s32 $0x0;
	s5 =	ssub.s32 $0x2, s3;
	s3 =	sor.u32 s3, s4  }
0x9: {  	[smem:$0x7FF] =	sst s2;
	s30 =	sshrl.u32 s5, $0x1;
	s8 =	sshll.u32 s3, $0xD  }
0xa: {  	_ =	strace $0x80000047;
	s13 =	sshll.u32 s3, $0x4;
	s12 =	ssub.s32 s5, s30  }
0xb: {  	s31 =	sor.u32 $0x1C0000, s8;
	s6 =	sor.u32 $0x1C0800, s8;
	s14 =	sor.u32 $0x1C1000, s8  }
.Ltmp0:
0xc: {  	s15 =	sor.u32 $0x1C1800, s8;
	s11 =	sadd.s32 s11, s13;
	(pc) =	sbr.rel .LBB2_1-.Ltmp0, $4  }
0xd: {  	s13 =	simm.s32 $0x8000;
	s3 =	sadd.s32 s9, s31;
	s4 =	sadd.s32 s10, s31  }
0xe: {  	s5 =	sadd.s32 s9, s6;
	s6 =	sadd.s32 s10, s6;
	s7 =	sadd.s32 s9, s14  }
0xf: {  	s8 =	sadd.s32 s10, s14;
	s9 =	sadd.s32 s9, s15;
	s10 =	sadd.s32 s10, s15  }
0x10: {  	s12 =	smax.u32 s12, $0x1;
	s14 =	simm.s32 $0x4000;
	s15 =	simm.s32 $0xC000  }
.LBB2_8:
0x11: {  	[tilespmem:$0x10000] =	vst v2;
	s22 =	sadd.s32 $0x1, s22  }
0x12: {  	[tilespmem:$0x10010] =	vst v6;
	p0 =	sne.s32 s22, s12  }
.Ltmp1:
0x13: {  	[tilespmem:$0x10020] =	vst v0;
	(pc) =	sbr.rel @!p0 .LBB2_9-.Ltmp1, $4  }
0x14: {  	[hbm4b:s11+s2] =	stream.linear.scatter [tilespmem:s20], [sflag:$0x5], $0x80, $0x38;
	[tilespmem:$0x10080] =	vst v63  }
0x15: {  	_ =	swait.ge [sflag:s21], $0x80  }
0x16: {  	[sflag:s21] =	ssyncset.done $0x0  }
0x17: {  	[sflag:s21] =	ssyncadd.s32 $0xFFFFFF80  }
.LBB2_1:
0x18: {  	[tilespmem:s2], [sflag:$0x1] =	stream.linear.gather [hbm4b:s3+s2], $0x4000, $0x38;
	[tilespmem:$0x10080] =	vst v63  }
0x19: {  	_ = 	snop  }
0x1a: {  	[tilespmem:s13], [sflag:$0x3] =	stream.linear.gather [hbm4b:s4+s2], $0x4000, $0x38;
	[tilespmem:$0x10080] =	vst v63  }
0x1b: {  	p0 =	por $0x1, $0x1;
	s23 =	smov.u32 s6  }
0x1c: {  	v0 =	vimm.f32 $0.0e+00;
	v6 =	vimm.f32 $0.0e+00;
	v2 =	vimm.f32 $0.0e+00;
	[tilespmem:s14], [sflag:$0x2] =	stream.linear.gather [hbm4b:s5+s2], $0x4000, $0x38;
	[tilespmem:$0x10080] =	vst v63  }
.LBB2_2:
0x1d: {  	s24 =	simm.s32 $0x0  }
0x1e: {  	[tilespmem:s15], [sflag:$0x4] =	stream.linear.gather [hbm4b:s23+s24], $0x4000, $0x38;
	[tilespmem:$0x10080] =	vst v63  }
0x1f: {  	_ =	swait.ge [sflag:s16], $0x4000  }
0x20: {  	[sflag:s16] =	ssyncset.done $0x0  }
0x21: {  	s26 =	sand.u32 $0x3000, s24;
	s25 =	sand.u32 $0xC00, s24;
	[sflag:s16] =	ssyncadd.s32 $0xFFFFC000  }
0x22: {  	s28 =	sand.u32 $0x380, s24;
	s23 =	sor.u32 s25, s26;
	_ =	swait.ge [sflag:s17], $0x4000  }
0x23: {  	s24 =	sand.u32 $0x70, s24;
	s23 =	sor.u32 s28, s23;
	[sflag:s17] =	ssyncset.done $0x0  }
0x24: {  	s23 =	sor.u32 s24, s23;
	[sflag:s17] =	ssyncadd.s32 $0xFFFFC000  }
0x25: {  	v1 =	vld [tilespmem:s23+$0x0]  }
0x26: {  	v7 =	vld [tilespmem:s23+$0x8000];
	_ =	sdelay $0x3  }
0x27: {  	s29 =	simm.s32 $0x10;
	s30 =	simm.s32 $0x80;
	v3 =	vsub.f32 $1.000000000e+00, v1  }
0x28: {  	s31 =	sand.u32 $0x3000, s29;
	s26 =	simm.s32 $0x4;
	s24 =	sand.u32 $0xC00, s30;
	vm0 =	vgt.f32 v7, $0.0e+00  }
0x29: {  	s28 =	sand.u32 $0x380, s26;
	s24 =	sor.u32 s24, s31;
	v1 =	vsel vm0, v1, v3  }
0x2a: {  	s24 =	sor.u32 s28, s24;
	s23 =	sand.u32 $0x70, s29;
	v1 =	vmax.f32 v1, $1.000000010e-07  }
0x2b: {  	s23 =	sor.u32 s23, s24;
	v4 =	vadd.s32 $0x4AFB0D, v1  }
0x2c: {  	v5 =	vld [tilespmem:s23+$0x0];
	v1 =	vand.u32 $0x7FFFFF, v4  }
0x2d: {  	v3 =	vld [tilespmem:s23+$0x8000];
	v1 =	vadd.s32 $0x3F3504F3, v1  }
0x2e: {  	v9 =	vadd.f32 $-1.000000000e+00, v1;
	_ =	sdelay $0x1  }
0x2f: {  	s29 =	simm.s32 $0x100;
	s23 =	simm.s32 $0x20;
	v1 =	vmul.f32 $1.248570760e-01, v9  }
0x30: {  	s31 =	simm.s32 $0x8;
	s24 =	sand.u32 $0xC00, s29;
	v8 =	vsub.f32 $1.000000000e+00, v5;
	s30 =	sand.u32 $0x3000, s23  }
0x31: {  	s28 =	sand.u32 $0x380, s31;
	s24 =	sor.u32 s24, s30;
	vm13 =	vgt.f32 v3, $0.0e+00;
	v1 =	vadd.f32 $-1.803062260e-01, v1  }
0x32: {  	s23 =	sand.u32 $0x70, s23;
	s24 =	sor.u32 s28, s24;
	v5 =	vsel vm13, v5, v8  }
0x33: {  	s23 =	sor.u32 s23, s24;
	v5 =	vmax.f32 v5, $1.000000010e-07;
	v1 =	vmul.f32 v1, v9  }
0x34: {  	v10 =	vld [tilespmem:s23+$0x0];
	v11 =	vadd.s32 $0x4AFB0D, v5  }
0x35: {  	v8 =	vand.u32 $0x7FFFFF, v11;
	v5 =	vadd.f32 $2.019973250e-01, v1;
	v1 =	vld [tilespmem:s23+$0x8000]  }
0x36: {  	v8 =	vadd.s32 $0x3F3504F3, v8  }
0x37: {  	v8 =	vadd.f32 $-1.000000000e+00, v8;
	v5 =	vmul.f32 v5, v9;
	_ =	sdelay $0x1  }
0x38: {  	v12 =	vsub.f32 $1.000000000e+00, v10;
	v13 =	vmul.f32 $1.248570760e-01, v8;
	v5 =	vadd.f32 $-2.497013060e-01, v5  }
0x39: {  	s29 =	simm.s32 $0x180;
	v4 =	vshrl.u32 v4, $0x17;
	v14 =	vmul.f32 v9, v9;
	s23 =	simm.s32 $0x30;
	vm14 =	vgt.f32 v1, $0.0e+00  }
0x3a: {  	s31 =	simm.s32 $0xC;
	s24 =	sand.u32 $0xC00, s29;
	s30 =	sand.u32 $0x3000, s23;
	v5 =	vmul.f32 v5, v9;
	v10 =	vsel vm14, v10, v12;
	v12 =	vadd.f32 $-1.803062260e-01, v13  }
0x3b: {  	v0 =	vadd.f32 v7, v0;
	s28 =	sand.u32 $0x380, s31;
	v4 =	vadd.s32 $0xFFFFFF81, v4;
	s24 =	sor.u32 s24, s30;
	v13 =	vmul.f32 $-5.000000000e-01, v14  }
0x3c: {  	s23 =	sand.u32 $0x70, s23;
	s24 =	sor.u32 s28, s24;
	v14 =	vmul.f32 v14, v9;
	v5 =	vadd.f32 $3.333148360e-01, v5;
	v12 =	vmul.f32 v12, v8  }
0x3d: {  	v4 =	vcvt.s32.f32 v4;
	s23 =	sor.u32 s23, s24;
	v10 =	vmax.f32 v10, $1.000000010e-07;
	v9 =	vadd.f32 v13, v9  }
0x3e: {  	v15 =	vld [tilespmem:s23+$0x0];
	v13 =	vmul.f32 v5, v14;
	v5 =	vadd.s32 $0x4AFB0D, v10;
	v10 =	vadd.f32 $2.019973250e-01, v12  }
0x3f: {  	v16 =	vmul.f32 $6.931471820e-01, v4;
	v14 =	vadd.f32 v3, v0;
	v0 =	vld [tilespmem:s23+$0x8000];
	v12 =	vand.u32 $0x7FFFFF, v5  }
0x40: {  	v13 =	vadd.f32 v13, v9;
	v9 =	vadd.s32 $0x3F3504F3, v12;
	v12 =	vmul.f32 v10, v8  }
0x41: {  	v4 =	vadd.f32 v1, v14;
	v9 =	vadd.f32 $-1.000000000e+00, v9  }
0x42: {  	v17 =	vshrl.u32 v11, $0x17;
	v10 =	vadd.f32 v13, v16;
	v12 =	vadd.f32 $-2.497013060e-01, v12  }
0x43: {  	s29 =	simm.s32 $0x40;
	s23 =	simm.s32 $0x200;
	v13 =	vsub.f32 $1.000000000e+00, v15;
	v16 =	vmul.f32 v8, v8;
	v14 =	vmul.f32 $1.248570760e-01, v9  }
0x44: {  	s30 =	sand.u32 $0x3000, s29;
	s24 =	simm.s32 $0x10;
	s28 =	sand.u32 $0xC00, s23;
	vm15 =	vgt.f32 v0, $0.0e+00;
	v7 =	vmul.f32 v10, v7;
	v12 =	vmul.f32 v12, v8  }
0x45: {  	s31 =	sand.u32 $0x380, s24;
	s26 =	sor.u32 s28, s30;
	v15 =	vsel vm15, v15, v13;
	v13 =	vmul.f32 $-5.000000000e-01, v16;
	v14 =	vadd.f32 $-1.803062260e-01, v14  }
0x46: {  	s25 =	sand.u32 $0x70, s29;
	s26 =	sor.u32 s31, s26;
	v7 =	vadd.f32 v7, v6;
	v11 =	vadd.f32 $3.333148360e-01, v12;
	v12 =	vmul.f32 v16, v8  }
0x47: {  	s26 =	sor.u32 s25, s26;
	s25 =	simm.s32 $0x50;
	v6 =	vmax.f32 v15, $1.000000010e-07;
	v15 =	vmul.f32 v14, v9;
	v14 =	vadd.s32 $0xFFFFFF81, v17  }
.LBB2_3:
0x48: {  	v16 =	vmov v9  }
0x49: {  	p1 =	sne.s32 s25, $0x3FF0;
	v9 =	vadd.f32 v13, v8;
	v11 =	vmul.f32 v11, v12;
	v12 =	vcvt.s32.f32 v14;
	v17 =	vld [tilespmem:s26+$0x0];
	v8 =	vmovc v16  }
0x4a: {  	v6 =	vadd.s32 $0x4AFB0D, v6;
	v2 =	vadd.f32 v10, v2;
	v14 =	vadd.f32 $2.019973250e-01, v15;
	v13 =	vld [tilespmem:s26+$0x8000]  }
0x4b: {  	v10 =	vand.u32 $0x7FFFFF, v6;
	v11 =	vadd.f32 v11, v9;
	v12 =	vmul.f32 $6.931471820e-01, v12  }
0x4c: {  	v4 =	vadd.f32 v0, v4;
	v9 =	vadd.s32 $0x3F3504F3, v10;
	v14 =	vmul.f32 v14, v8  }
0x4d: {  	v9 =	vadd.f32 $-1.000000000e+00, v9;
	v10 =	vadd.f32 v11, v12  }
0x4e: {  	v12 =	vadd.f32 $-2.497013060e-01, v14;
	v11 =	vsub.f32 $1.000000000e+00, v17  }
.Ltmp2:
0x4f: {  	s23 =	sadd.s32 $0x80, s23;
	v14 =	vmul.f32 $1.248570760e-01, v9;
	v15 =	vmul.f32 v10, v3;
	v3 =	vmovc v1;
	v1 =	vmovc v0;
	vm0 =	vgt.f32 v13, $0.0e+00;
	(pc) =	sbr.rel @p1 .LBB2_3-.Ltmp2, $4  }
0x50: {  	s24 =	sadd.s32 $0x4, s24;
	s28 =	sand.u32 $0xC00, s23;
	s26 =	sand.u32 $0x3000, s25;
	v16 =	vmul.f32 v16, v8;
	v0 =	vmovc v13;
	v17 =	vsel vm0, v17, v11;
	v11 =	vmul.f32 v12, v8  }
0x51: {  	v18 =	vshrl.u32 v5, $0x17;
	v5 =	vmovc v6;
	s26 =	sor.u32 s28, s26;
	s28 =	sand.u32 $0x380, s24;
	v14 =	vadd.f32 $-1.803062260e-01, v14;
	v7 =	vadd.f32 v15, v7  }
0x52: {  	s29 =	sand.u32 $0x70, s25;
	s26 =	sor.u32 s28, s26;
	v13 =	vmul.f32 $-5.000000000e-01, v16;
	v12 =	vmul.f32 v16, v8;
	v11 =	vadd.f32 $3.333148360e-01, v11  }
0x53: {  	s25 =	sadd.s32 $0x10, s25;
	s26 =	sor.u32 s29, s26;
	v6 =	vmax.f32 v17, $1.000000010e-07;
	v15 =	vmul.f32 v14, v9;
	v14 =	vadd.s32 $0xFFFFFF81, v18  }
0x54: {  	v16 =	vadd.s32 $0x4AFB0D, v6;
	v17 =	vld [tilespmem:s26+$0x0]  }
0x55: {  	v6 =	vld [tilespmem:s26+$0x8000];
	v18 =	vand.u32 $0x7FFFFF, v16  }
0x56: {  	v15 =	vadd.f32 $2.019973250e-01, v15;
	v18 =	vadd.s32 $0x3F3504F3, v18  }
0x57: {  	v8 =	vadd.f32 v13, v8;
	v11 =	vmul.f32 v11, v12;
	v18 =	vadd.f32 $-1.000000000e+00, v18  }
0x58: {  	v2 =	vadd.f32 v10, v2;
	v5 =	vshrl.u32 v5, $0x17;
	v15 =	vmul.f32 v15, v9  }
0x59: {  	s23 =	simm.s32 @p0 $0x0;
	v5 =	vadd.s32 $0xFFFFFF81, v5;
	v13 =	vmul.f32 $1.248570760e-01, v18;
	v12 =	vsub.f32 $1.000000000e+00, v17  }
0x5a: {  	[tilespmem:s23], [sflag:$0x1] =	stream.linear.gather @p0 [hbm4b:s7+s23], $0x4000, $0x38;
	v8 =	vadd.f32 v11, v8;
	v15 =	vadd.f32 $-2.497013060e-01, v15;
	vm0 =	vgt.f32 v6, $0.0e+00;
	[tilespmem:$0x10080] =	vst v63  }
0x5b: {  	s24 =	simm.s32 @p0 $0x8000;
	v10 =	vadd.f32 $-1.803062260e-01, v13;
	v13 =	vcvt.s32.f32 v14;
	v11 =	vsel vm0, v17, v12  }
0x5c: {  	v5 =	vcvt.s32.f32 v5;
	[tilespmem:s24], [sflag:$0x3] =	stream.linear.gather @p0 [hbm4b:s8+s23], $0x4000, $0x38;
	v12 =	vmul.f32 v15, v9;
	v11 =	vmax.f32 v11, $1.000000010e-07;
	[tilespmem:$0x10080] =	vst v63  }
0x5d: {  	s31 =	simm.s32 $0x0;
	_ =	swait.ge [sflag:s18], $0x4000;
	v10 =	vmul.f32 v10, v18;
	v13 =	vmul.f32 $6.931471820e-01, v13;
	v11 =	vadd.s32 $0x4AFB0D, v11  }
0x5e: {  	s26 =	sand.u32 $0x3000, s31;
	[sflag:s18] =	ssyncset.done $0x0;
	v14 =	vmul.f32 v9, v9;
	v12 =	vadd.f32 $3.333148360e-01, v12;
	v15 =	vand.u32 $0x7FFFFF, v11  }
0x5f: {  	s25 =	sand.u32 $0xC00, s31;
	[sflag:s18] =	ssyncadd.s32 $0xFFFFC000;
	v10 =	vadd.f32 $2.019973250e-01, v10;
	v13 =	vadd.f32 v8, v13;
	v15 =	vadd.s32 $0x3F3504F3, v15  }
0x60: {  	s28 =	sand.u32 $0x380, s31;
	s24 =	sor.u32 s25, s26;
	_ =	swait.ge [sflag:s19], $0x4000;
	v8 =	vmul.f32 v14, v9;
	v14 =	vmul.f32 $-5.000000000e-01, v14;
	v15 =	vadd.f32 $-1.000000000e+00, v15  }
0x61: {  	v4 =	vadd.f32 v0, v4;
	s23 =	sand.u32 $0x70, s31;
	s24 =	sor.u32 s28, s24;
	v5 =	vmul.f32 $6.931471820e-01, v5;
	[sflag:s19] =	ssyncset.done $0x0;
	v10 =	vmul.f32 v10, v18  }
0x62: {  	s23 =	sor.u32 s23, s24;
	[sflag:s19] =	ssyncadd.s32 $0xFFFFC000;
	v8 =	vmul.f32 v12, v8;
	v9 =	vadd.f32 v14, v9;
	v12 =	vmul.f32 $1.248570760e-01, v15  }
0x63: {  	v17 =	vld [tilespmem:s23+$0x4000];
	v11 =	vshrl.u32 v11, $0x17;
	v3 =	vmul.f32 v13, v3;
	v10 =	vadd.f32 $-2.497013060e-01, v10  }
0x64: {  	v11 =	vadd.s32 $0xFFFFFF81, v11;
	v9 =	vadd.f32 v8, v9;
	v8 =	vld [tilespmem:s23+$0xC000];
	v12 =	vadd.f32 $-1.803062260e-01, v12  }
0x65: {  	v14 =	vmul.f32 v18, v18;
	v3 =	vadd.f32 v3, v7;
	v7 =	vmul.f32 v10, v18  }
0x66: {  	v2 =	vadd.f32 v13, v2;
	v5 =	vadd.f32 v9, v5;
	v9 =	vmul.f32 v12, v15  }
0x67: {  	v10 =	vmul.f32 $-5.000000000e-01, v14;
	v12 =	vmul.f32 v14, v18;
	v7 =	vadd.f32 $3.333148360e-01, v7  }
0x68: {  	v13 =	vsub.f32 $1.000000000e+00, v17;
	v14 =	vshrl.u32 v16, $0x17;
	v9 =	vadd.f32 $2.019973250e-01, v9  }
0x69: {  	s29 =	simm.s32 $0x80;
	s23 =	simm.s32 $0x10;
	v10 =	vadd.f32 v10, v18;
	vm12 =	vgt.f32 v8, $0.0e+00;
	v7 =	vmul.f32 v7, v12  }
0x6a: {  	s31 =	simm.s32 $0x4;
	s24 =	sand.u32 $0xC00, s29;
	s30 =	sand.u32 $0x3000, s23;
	v12 =	vadd.s32 $0xFFFFFF81, v14;
	v13 =	vsel vm12, v17, v13;
	v9 =	vmul.f32 v9, v15  }
0x6b: {  	s28 =	sand.u32 $0x380, s31;
	s24 =	sor.u32 s24, s30;
	v1 =	vmul.f32 v5, v1;
	v12 =	vcvt.s32.f32 v12;
	v13 =	vmax.f32 v13, $1.000000010e-07  }
0x6c: {  	s23 =	sand.u32 $0x70, s23;
	s24 =	sor.u32 s28, s24;
	v7 =	vadd.f32 v7, v10;
	v10 =	vadd.s32 $0x4AFB0D, v13;
	v9 =	vadd.f32 $-2.497013060e-01, v9  }
0x6d: {  	s23 =	sor.u32 s23, s24;
	v13 =	vmul.f32 v15, v15;
	v12 =	vmul.f32 $6.931471820e-01, v12;
	v14 =	vand.u32 $0x7FFFFF, v10  }
0x6e: {  	v16 =	vld [tilespmem:s23+$0x4000];
	v3 =	vadd.f32 v1, v3;
	v14 =	vadd.s32 $0x3F3504F3, v14;
	v9 =	vmul.f32 v9, v15  }
0x6f: {  	v1 =	vld [tilespmem:s23+$0xC000];
	v7 =	vadd.f32 v7, v12;
	v12 =	vmul.f32 $-5.000000000e-01, v13;
	v14 =	vadd.f32 $-1.000000000e+00, v14  }
0x70: {  	s29 =	simm.s32 $0x100;
	v11 =	vcvt.s32.f32 v11;
	s23 =	simm.s32 $0x20;
	v13 =	vmul.f32 v13, v15;
	v9 =	vadd.f32 $3.333148360e-01, v9  }
0x71: {  	s31 =	simm.s32 $0x8;
	s24 =	sand.u32 $0xC00, s29;
	s30 =	sand.u32 $0x3000, s23;
	v12 =	vadd.f32 v12, v15;
	v15 =	vmul.f32 $1.248570760e-01, v14  }
0x72: {  	v4 =	vadd.f32 v6, v4;
	v11 =	vmul.f32 $6.931471820e-01, v11;
	s28 =	sand.u32 $0x380, s31;
	s24 =	sor.u32 s24, s30;
	v9 =	vmul.f32 v9, v13  }
0x73: {  	s23 =	sand.u32 $0x70, s23;
	s24 =	sor.u32 s28, s24;
	v0 =	vmul.f32 v7, v0;
	v13 =	vsub.f32 $1.000000000e+00, v16;
	v15 =	vadd.f32 $-1.803062260e-01, v15  }
0x74: {  	v2 =	vadd.f32 v5, v2;
	s23 =	sor.u32 s23, s24;
	vm13 =	vgt.f32 v1, $0.0e+00;
	v9 =	vadd.f32 v9, v12  }
0x75: {  	v3 =	vadd.f32 v0, v3;
	v0 =	vld [tilespmem:s23+$0xC000];
	v12 =	vsel vm13, v16, v13;
	v13 =	vmul.f32 v15, v14  }
0x76: {  	v4 =	vadd.f32 v8, v4;
	v9 =	vadd.f32 v9, v11;
	v11 =	vmax.f32 v12, $1.000000010e-07;
	v12 =	vld [tilespmem:s23+$0x4000]  }
0x77: {  	v10 =	vshrl.u32 v10, $0x17;
	v5 =	vadd.f32 $2.019973250e-01, v13;
	v11 =	vadd.s32 $0x4AFB0D, v11  }
0x78: {  	v10 =	vadd.s32 $0xFFFFFF81, v10;
	v6 =	vmul.f32 v9, v6;
	v13 =	vand.u32 $0x7FFFFF, v11  }
0x79: {  	v2 =	vadd.f32 v7, v2;
	v7 =	vadd.s32 $0x3F3504F3, v13;
	v13 =	vmul.f32 v5, v14  }
0x7a: {  	v10 =	vcvt.s32.f32 v10;
	v6 =	vadd.f32 v6, v3;
	v5 =	vadd.f32 $-1.000000000e+00, v7  }
0x7b: {  	s29 =	simm.s32 $0x180;
	s23 =	simm.s32 $0x30;
	vm14 =	vgt.f32 v0, $0.0e+00;
	v3 =	vadd.f32 $-2.497013060e-01, v13;
	v7 =	vsub.f32 $1.000000000e+00, v12  }
0x7c: {  	s31 =	simm.s32 $0xC;
	s24 =	sand.u32 $0xC00, s29;
	s30 =	sand.u32 $0x3000, s23;
	v2 =	vadd.f32 v9, v2;
	v13 =	vmul.f32 v14, v14;
	v9 =	vmul.f32 $1.248570760e-01, v5  }
0x7d: {  	s28 =	sand.u32 $0x380, s31;
	v16 =	vmul.f32 $6.931471820e-01, v10;
	s24 =	sor.u32 s24, s30;
	v3 =	vmul.f32 v3, v14;
	v7 =	vsel vm14, v12, v7  }
0x7e: {  	s23 =	sand.u32 $0x70, s23;
	s24 =	sor.u32 s28, s24;
	v12 =	vmul.f32 $-5.000000000e-01, v13;
	v9 =	vadd.f32 $-1.803062260e-01, v9;
	v7 =	vmax.f32 v7, $1.000000010e-07  }
0x7f: {  	s23 =	sor.u32 s23, s24;
	v13 =	vmul.f32 v13, v14;
	v3 =	vadd.f32 $3.333148360e-01, v3;
	v7 =	vadd.s32 $0x4AFB0D, v7  }
0x80: {  	v15 =	vld [tilespmem:s23+$0x4000];
	v12 =	vadd.f32 v12, v14;
	v9 =	vmul.f32 v9, v5;
	v14 =	vand.u32 $0x7FFFFF, v7  }
0x81: {  	v3 =	vmul.f32 v3, v13;
	v13 =	vadd.f32 v1, v4;
	v4 =	vld [tilespmem:s23+$0xC000];
	v10 =	vadd.s32 $0x3F3504F3, v14  }
0x82: {  	v9 =	vadd.f32 $2.019973250e-01, v9;
	v10 =	vadd.f32 $-1.000000000e+00, v10  }
0x83: {  	v12 =	vadd.f32 v3, v12  }
0x84: {  	v3 =	vadd.f32 v0, v13;
	v13 =	vmul.f32 v9, v5;
	v14 =	vmul.f32 $1.248570760e-01, v10  }
0x85: {  	v9 =	vadd.f32 v12, v16;
	v12 =	vsub.f32 $1.000000000e+00, v15  }
0x86: {  	s29 =	simm.s32 $0x40;
	s23 =	simm.s32 $0x200;
	v13 =	vadd.f32 $-2.497013060e-01, v13;
	vm15 =	vgt.f32 v4, $0.0e+00;
	v16 =	vadd.f32 $-1.803062260e-01, v14  }
0x87: {  	s30 =	sand.u32 $0x3000, s29;
	s24 =	simm.s32 $0x10;
	s28 =	sand.u32 $0xC00, s23;
	v8 =	vmul.f32 v9, v8;
	v15 =	vsel vm15, v15, v12;
	v12 =	vmul.f32 v5, v5  }
0x88: {  	v17 =	vshrl.u32 v11, $0x17;
	s31 =	sand.u32 $0x380, s24;
	s26 =	sor.u32 s28, s30;
	v13 =	vmul.f32 v13, v5;
	v14 =	vmax.f32 v15, $1.000000010e-07  }
0x89: {  	s25 =	sand.u32 $0x70, s29;
	s26 =	sor.u32 s31, s26;
	v15 =	vmul.f32 v16, v10;
	v6 =	vadd.f32 v8, v6;
	v11 =	vmul.f32 $-5.000000000e-01, v12  }
0x8a: {  	s26 =	sor.u32 s25, s26;
	s25 =	simm.s32 $0x50;
	v12 =	vmul.f32 v12, v5;
	v8 =	vadd.f32 $3.333148360e-01, v13;
	v13 =	vadd.s32 $0xFFFFFF81, v17  }
.LBB2_5:
0x8b: {  	v16 =	vmov v10  }
0x8c: {  	p1 =	sne.s32 s25, $0x3FF0;
	v10 =	vadd.f32 v11, v5;
	v8 =	vmul.f32 v8, v12;
	v11 =	vcvt.s32.f32 v13;
	v17 =	vld [tilespmem:s26+$0x4000];
	v5 =	vmovc v16  }
0x8d: {  	v13 =	vadd.s32 $0x4AFB0D, v14;
	v2 =	vadd.f32 v9, v2;
	v14 =	vadd.f32 $2.019973250e-01, v15;
	v12 =	vld [tilespmem:s26+$0xC000]  }
0x8e: {  	v9 =	vand.u32 $0x7FFFFF, v13;
	v8 =	vadd.f32 v8, v10;
	v11 =	vmul.f32 $6.931471820e-01, v11  }
0x8f: {  	v3 =	vadd.f32 v4, v3;
	v9 =	vadd.s32 $0x3F3504F3, v9;
	v14 =	vmul.f32 v14, v5  }
0x90: {  	v10 =	vadd.f32 $-1.000000000e+00, v9;
	v9 =	vadd.f32 v8, v11  }
0x91: {  	v11 =	vadd.f32 $-2.497013060e-01, v14;
	v8 =	vsub.f32 $1.000000000e+00, v17  }
.Ltmp3:
0x92: {  	s23 =	sadd.s32 $0x80, s23;
	v14 =	vmul.f32 $1.248570760e-01, v10;
	v15 =	vmul.f32 v9, v1;
	v1 =	vmovc v0;
	v0 =	vmovc v4;
	vm0 =	vgt.f32 v12, $0.0e+00;
	(pc) =	sbr.rel @p1 .LBB2_5-.Ltmp3, $4  }
0x93: {  	s24 =	sadd.s32 $0x4, s24;
	s28 =	sand.u32 $0xC00, s23;
	s26 =	sand.u32 $0x3000, s25;
	v16 =	vmul.f32 v16, v5;
	v4 =	vmovc v12;
	v17 =	vsel vm0, v17, v8;
	v8 =	vmul.f32 v11, v5  }
0x94: {  	v19 =	vshrl.u32 v7, $0x17;
	v7 =	vmovc v13;
	s26 =	sor.u32 s28, s26;
	s28 =	sand.u32 $0x380, s24;
	v18 =	vadd.f32 $-1.803062260e-01, v14;
	v6 =	vadd.f32 v15, v6  }
0x95: {  	s29 =	sand.u32 $0x70, s25;
	s26 =	sor.u32 s28, s26;
	v12 =	vmul.f32 v16, v5;
	v11 =	vmul.f32 $-5.000000000e-01, v16;
	v8 =	vadd.f32 $3.333148360e-01, v8  }
0x96: {  	v13 =	vadd.s32 $0xFFFFFF81, v19;
	s25 =	sadd.s32 $0x10, s25;
	s26 =	sor.u32 s29, s26;
	v14 =	vmax.f32 v17, $1.000000010e-07;
	v15 =	vmul.f32 v18, v10  }
0x97: {  	v16 =	vld [tilespmem:s26+$0x4000]  }
0x98: {  	v17 =	vld [tilespmem:s26+$0xC000];
	_ =	sdelay $0x3  }
0x99: {  	v18 =	vsub.f32 $1.000000000e+00, v16  }
0x9a: {  	vm0 =	vgt.f32 v17, $0.0e+00  }
0x9b: {  	v14 =	vadd.s32 $0x4AFB0D, v14;
	v16 =	vsel vm0, v16, v18  }
0x9c: {  	v19 =	vand.u32 $0x7FFFFF, v14;
	v16 =	vmax.f32 v16, $1.000000010e-07  }
0x9d: {  	v43 =	vadd.s32 $0x3F3504F3, v19;
	v16 =	vadd.s32 $0x4AFB0D, v16  }
0x9e: {  	v18 =	vadd.f32 $-1.000000000e+00, v43;
	v44 =	vand.u32 $0x7FFFFF, v16  }
0x9f: {  	v21 =	vmul.f32 v10, v10;
	v15 =	vadd.f32 $2.019973250e-01, v15;
	v19 =	vadd.s32 $0x3F3504F3, v44  }
0xa0: {  	v8 =	vmul.f32 v8, v12;
	v20 =	vmul.f32 $1.248570760e-01, v18;
	v19 =	vadd.f32 $-1.000000000e+00, v19  }
0xa1: {  	v5 =	vadd.f32 v11, v5;
	v50 =	vcvt.s32.f32 v13;
	v15 =	vmul.f32 v15, v10  }
0xa2: {  	v7 =	vshrl.u32 v7, $0x17;
	v45 =	vadd.f32 $-1.803062260e-01, v20;
	v48 =	vmul.f32 $1.248570760e-01, v19  }
0xa3: {  	v2 =	vadd.f32 v9, v2;
	v7 =	vadd.s32 $0xFFFFFF81, v7;
	v15 =	vadd.f32 $-2.497013060e-01, v15  }
0xa4: {  	v5 =	vadd.f32 v8, v5;
	v8 =	vmul.f32 v45, v18;
	v51 =	vadd.f32 $-1.803062260e-01, v48  }
0xa5: {  	v57 =	vshrl.u32 v14, $0x17;
	v47 =	vmul.f32 v21, v10;
	v15 =	vmul.f32 v15, v10  }
0xa6: {  	v52 =	vmul.f32 $-5.000000000e-01, v21;
	v8 =	vadd.f32 $2.019973250e-01, v8;
	v13 =	vmul.f32 v51, v19  }
0xa7: {  	v12 =	vmul.f32 $6.931471820e-01, v50;
	v7 =	vcvt.s32.f32 v7;
	v46 =	vadd.f32 $3.333148360e-01, v15  }
0xa8: {  	v53 =	vadd.f32 v52, v10;
	v8 =	vmul.f32 v8, v18;
	v54 =	vadd.f32 $2.019973250e-01, v13  }
0xa9: {  	v5 =	vadd.f32 v5, v12;
	v55 =	vmul.f32 v18, v18;
	v49 =	vmul.f32 v46, v47  }
0xaa: {  	v7 =	vmul.f32 $6.931471820e-01, v7;
	v8 =	vadd.f32 $-2.497013060e-01, v8;
	v56 =	vmul.f32 v54, v19  }
0xab: {  	v61 =	vshrl.u32 v16, $0x17;
	v58 =	vmul.f32 $-5.000000000e-01, v55;
	v10 =	vadd.f32 v49, v53  }
0xac: {  	v9 =	vmul.f32 v55, v18;
	v8 =	vmul.f32 v8, v18;
	v11 =	vadd.f32 $-2.497013060e-01, v56  }
0xad: {  	v12 =	vadd.f32 v58, v18;
	v59 =	vmul.f32 v19, v19;
	v7 =	vadd.f32 v10, v7  }
0xae: {  	v10 =	vadd.s32 $0xFFFFFF81, v57;
	v8 =	vadd.f32 $3.333148360e-01, v8;
	v11 =	vmul.f32 v11, v19  }
0xaf: {  	v60 =	vcvt.s32.f32 v10;
	v62 =	vmul.f32 $-5.000000000e-01, v59;
	v10 =	vadd.s32 $0xFFFFFF81, v61  }
0xb0: {  	v13 =	vmul.f32 v59, v19;
	v8 =	vmul.f32 v8, v9;
	v11 =	vadd.f32 $3.333148360e-01, v11  }
0xb1: {  	v1 =	vmul.f32 v5, v1;
	v10 =	vcvt.s32.f32 v10;
	v63 =	vadd.f32 v62, v19  }
0xb2: {  	v9 =	vmul.f32 $6.931471820e-01, v60;
	v8 =	vadd.f32 v8, v12;
	v11 =	vmul.f32 v11, v13  }
0xb3: {  	v2 =	vadd.f32 v5, v2;
	v1 =	vadd.f32 v1, v6;
	v0 =	vmul.f32 v7, v0  }
0xb4: {  	v5 =	vadd.f32 v8, v9;
	v8 =	vmul.f32 $6.931471820e-01, v10;
	v6 =	vadd.f32 v11, v63  }
0xb5: {  	v0 =	vadd.f32 v0, v1  }
0xb6: {  	v1 =	vadd.f32 v7, v2;
	v2 =	vmul.f32 v5, v4;
	v7 =	vadd.f32 v6, v8  }
.Ltmp4:
0xb7: {  	v3 =	vadd.f32 v4, v3;
	(pc) =	sbr.rel @!p0 .LBB2_8-.Ltmp4, $3  }
0xb8: {  	v1 =	vadd.f32 v5, v1;
	v2 =	vadd.f32 v2, v0;
	v4 =	vmul.f32 v7, v17;
	_ =	sdelay $0x1  }
0xb9: {  	v6 =	vadd.f32 v4, v2;
	v2 =	vadd.f32 v7, v1  }
0xba: {  	v0 =	vadd.f32 v17, v3  }
.Ltmp5:
0xbb: {  	(pc) =	sbr.rel .LBB2_2-.Ltmp5, $3  }
0xbc: {  	_ =	sdelay $0x1  }
0xbd: {  	[tilespmem:s14], [sflag:$0x2] =	stream.linear.gather [hbm4b:s9+s2], $0x4000, $0x38;
	[tilespmem:$0x10080] =	vst v63  }
0xbe: {  	p0 =	por $0x0, $0x0;
	s23 =	smov.u32 s10  }
.LBB2_9:
0xbf: {  	_ =	sfence.sel $0x180000  }
0xc0: {  	[bflag:$0x0] =	sbarrier.arrive $0xFFFF  }
0xc1: {  	p0 =	sne.s32 s1, $0x0;
	_ =	strace $0x90000047  }
0xc2: {  	s0 =	sadd.s32 @!p0 $0x100000, s0;
	[bflag:$0x2] =	sbarrier.arrive $0xFFFF  }
0xc3: {  	[sflag:s0] =	ssyncadd.tile.s32 @!p0 $0x1;
	_ =	shalt  }
.Lfunc_end2:
_tile_overlayer_lowered:
.L_overlay_start_2:
0xc4: {  	(tag) =	ssettag $0x2  }
0xc5: {  	s0 =	rddreg [dreg:$0x0];
	s2 =	stileid.u32  }
0xc6: {  	s1 =	rddreg [dreg:$0x1];
	p0 =	sne.s32 s2, $0x0  }
0xc7: {  	s3 =	rddreg [dreg:$0x2];
	[bflag:$0x3] =	sbarrier.arrive $0xFFFF;
	s2 =	simm.s32 @!p0 $0x1C05  }
0xc8: {  	[timem:s3], [sflag:s2] =	dma.local @!p0 [hbm:s0], s1  }
0xc9: {  	s0 =	simm.s32 @!p0 $0x5  }
0xca: {  	_ =	swait.ge @!p0 [sflag:s0], s1  }
0xcb: {  	s1 =	ssub.s32 @!p0 $0x0, s1;
	[sflag:s0] =	ssyncset.done @!p0 $0x0  }
0xcc: {  	[sflag:s0] =	ssyncadd.s32 @!p0 s1  }
0xcd: {  	[bflag:$0x3] =	sbarrier.arrive $0xFFFF  }
0xce: {  	_ =	shalt  }

</sc_bundles>
